<compile_context>
chip_gen: v7x
topology: tpu7x:2x2x1
jax: 0.10.2.dev20260603
libtpu: 0.0.44.dev20260713+nightly
codegen_flags: <defaults>
</compile_context>

<pallas_src>
import functools

import jax
import jax.numpy as jnp
from jax import lax
from jax.experimental import pallas as pl
from jax.experimental.pallas import tpu as pltpu
from jax.experimental.pallas import tpu_sc as plsc

N_NODES = 10000
N_EDGES = 320000
D = 128

NC = 2
NS = 16
NW = NC * NS
EDGES_PER_TILE = N_EDGES // NW
K = 128
NCHUNK = EDGES_PER_TILE // K
K_TAIL = EDGES_PER_TILE - NCHUNK * K
ROWS_PER_SUB = 624
TAIL_ROWS = N_NODES - NS * ROWS_PER_SUB
TAIL_OFF = NS * ROWS_PER_SUB

_sc_mesh = plsc.VectorSubcoreMesh(
    core_axis_name="c", subcore_axis_name="s", num_cores=NC, num_subcores=NS
)


NBUF = 3
NFULL = NCHUNK - NCHUNK % NBUF


@functools.partial(
    pl.kernel,
    out_type=jax.ShapeDtypeStruct((NC, N_NODES, D), jnp.float32),
    mesh=_sc_mesh,
    scratch_types=[
        pltpu.VMEM((NBUF, K), jnp.int32),
        pltpu.VMEM((1, K_TAIL), jnp.int32),
        pltpu.VMEM((NBUF, K, D), jnp.float32),
        pltpu.VMEM_SHARED((N_NODES, D), jnp.float32),
        pltpu.SemaphoreType.DMA((NBUF,)),
        pltpu.SemaphoreType.DMA,
    ],
)
def _sc_segment_sum(col_hbm, ea_hbm, zeros_hbm, out_hbm, idx_v, idx_t, rows_v,
                    acc_sh, sems, zsem):
    c = lax.axis_index("c")
    s = lax.axis_index("s")
    wid = c * NS + s
    base = wid * EDGES_PER_TILE

    def fetch(j, b):
        off = pl.multiple_of(base + j * K, 8)
        pltpu.async_copy(col_hbm.at[pl.ds(off + N_EDGES, K)], idx_v.at[b], sems.at[b])
        pltpu.async_copy(ea_hbm.at[pl.ds(off, K)], rows_v.at[b], sems.at[b])

    def drain(j, b):
        off = pl.multiple_of(base + j * K, 8)
        pltpu.make_async_copy(col_hbm.at[pl.ds(off + N_EDGES, K)], idx_v.at[b],
                              sems.at[b]).wait()
        pltpu.make_async_copy(ea_hbm.at[pl.ds(off, K)], rows_v.at[b],
                              sems.at[b]).wait()

    r0 = pl.multiple_of(s * ROWS_PER_SUB, 8)
    zdesc = pltpu.async_copy(
        zeros_hbm.at[pl.ds(r0, ROWS_PER_SUB)], acc_sh.at[pl.ds(r0, ROWS_PER_SUB)],
        zsem,
    )
    for b in range(NBUF):
        fetch(b, b)

    zdesc.wait()

    @pl.when(s == NS - 1)
    def _zero_tail():
        pltpu.sync_copy(
            zeros_hbm.at[pl.ds(TAIL_OFF, TAIL_ROWS)],
            acc_sh.at[pl.ds(TAIL_OFF, TAIL_ROWS)],
        )

    plsc.subcore_barrier()

    def outer(g, carry):
        j0 = g * NBUF
        for b in range(NBUF):
            j = j0 + b
            drain(j, b)
            pltpu.sync_copy(rows_v.at[b], acc_sh.at[idx_v.at[b]], add=True)
            nj = j + NBUF

            @pl.when(nj < NCHUNK)
            def _refetch():
                fetch(nj, b)

        return carry

    lax.fori_loop(0, NFULL // NBUF, outer, 0)

    for j in range(NFULL, NCHUNK):
        b = j % NBUF
        drain(j, b)
        pltpu.sync_copy(rows_v.at[b], acc_sh.at[idx_v.at[b]], add=True)

    toff = pl.multiple_of(base + NCHUNK * K, 8)
    pltpu.sync_copy(col_hbm.at[pl.ds(toff + N_EDGES, K_TAIL)], idx_t.at[0])
    pltpu.sync_copy(ea_hbm.at[pl.ds(toff, K_TAIL)],
                    rows_v.at[0, pl.ds(0, K_TAIL)])
    pltpu.sync_copy(rows_v.at[0, pl.ds(0, K_TAIL)], acc_sh.at[idx_t.at[0]],
                    add=True)

    plsc.subcore_barrier()

    pltpu.sync_copy(
        acc_sh.at[pl.ds(r0, ROWS_PER_SUB)], out_hbm.at[c, pl.ds(r0, ROWS_PER_SUB)]
    )

    @pl.when(s == NS - 1)
    def _flush_tail():
        pltpu.sync_copy(
            acc_sh.at[pl.ds(TAIL_OFF, TAIL_ROWS)],
            out_hbm.at[c, pl.ds(TAIL_OFF, TAIL_ROWS)],
        )


BLK = 2000


def _mlp_body(x_ref, p0_ref, p1_ref, w1x_ref, w1a_ref, b1_ref, w2_ref, b2_ref,
              w3_ref, b3_ref, g_ref, be_ref, o_ref):
    agg = p0_ref[0] + p1_ref[0]
    h = jnp.dot(x_ref[...], w1x_ref[...], preferred_element_type=jnp.float32)
    h = h + jnp.dot(agg, w1a_ref[...], preferred_element_type=jnp.float32)
    h = jnp.maximum(h + b1_ref[...], 0.0)
    h = jnp.maximum(
        jnp.dot(h, w2_ref[...], preferred_element_type=jnp.float32) + b2_ref[...], 0.0
    )
    h = jnp.dot(h, w3_ref[...], preferred_element_type=jnp.float32) + b3_ref[...]
    mean = jnp.mean(h, axis=-1, keepdims=True)
    cent = h - mean
    var = jnp.mean(cent * cent, axis=-1, keepdims=True)
    o_ref[...] = cent * lax.rsqrt(var + 1e-5) * g_ref[...] + be_ref[...]


def _node_mlp(x, partials, W1, b1, W2, b2, W3, b3, gamma, beta):
    row_spec = pl.BlockSpec((BLK, D), lambda i: (i, 0))
    p0_spec = pl.BlockSpec((1, BLK, D), lambda i: (0, i, 0))
    p1_spec = pl.BlockSpec((1, BLK, D), lambda i: (1, i, 0))
    full_spec = pl.BlockSpec((D, D), lambda i: (0, 0))
    vec_spec = pl.BlockSpec((1, D), lambda i: (0, 0))
    return pl.pallas_call(
        _mlp_body,
        grid=(N_NODES // BLK,),
        in_specs=[row_spec, p0_spec, p1_spec, full_spec, full_spec, vec_spec,
                  full_spec, vec_spec, full_spec, vec_spec, vec_spec, vec_spec],
        out_specs=row_spec,
        out_shape=jax.ShapeDtypeStruct((N_NODES, D), jnp.float32),
    )(x, partials, partials, W1[:D], W1[D:], b1.reshape(1, D), W2,
      b2.reshape(1, D), W3, b3.reshape(1, D), gamma.reshape(1, D),
      beta.reshape(1, D))


def kernel(x, edge_index, edge_attr, W1, b1, W2, b2, W3, b3, gamma, beta):
    zeros = jnp.zeros((N_NODES, D), jnp.float32)
    partials = _sc_segment_sum(edge_index.astype(jnp.int32).reshape(2 * N_EDGES), edge_attr, zeros)
    return _node_mlp(x, partials, W1, b1, W2, b2, W3, b3, gamma, beta)

# --- scband reference (transcript-rebuilt; emitter-appended) ---
"""Pipeline reference for scband-node-processor-2070174236990 (READ-ONLY COPY).

The authoritative reference and input builder live on the scoring server;
editing this copy changes nothing except your own understanding.
"""

import jax, jax.numpy as jnp
import numpy as np

N_NODES = 10000
N_EDGES = 320000
D_NODE = 128
D_EDGE = 128
HIDDEN = 128


def _linear_init(key, fan_in, fan_out):
    kw, kb = jax.random.split(key)
    bound = 1.0 / np.sqrt(fan_in)
    W = jax.random.uniform(kw, (fan_in, fan_out), minval=-bound, maxval=bound, dtype=jnp.float32)
    b = jax.random.uniform(kb, (fan_out,), minval=-bound, maxval=bound, dtype=jnp.float32)
    return W, b


def setup_inputs(seed: int = 0) -> dict:
    key = jax.random.key(seed)
    k_x, k_ei, k_ea, k1, k2, k3 = jax.random.split(key, 6)
    x = jax.random.normal(k_x, (N_NODES, D_NODE), dtype=jnp.float32)
    edge_index = jax.random.randint(k_ei, (2, N_EDGES), 0, N_NODES, dtype=jnp.int64)
    edge_attr = jax.random.normal(k_ea, (N_EDGES, D_EDGE), dtype=jnp.float32)
    W1, b1 = _linear_init(k1, D_NODE + D_EDGE, HIDDEN)
    W2, b2 = _linear_init(k2, HIDDEN, HIDDEN)
    W3, b3 = _linear_init(k3, HIDDEN, D_NODE)
    gamma = jnp.ones((D_NODE,), dtype=jnp.float32)
    beta = jnp.zeros((D_NODE,), dtype=jnp.float32)
    return {"x": x, "edge_index": edge_index, "edge_attr": edge_attr,
            "W1": W1, "b1": b1, "W2": W2, "b2": b2, "W3": W3, "b3": b3,
            "gamma": gamma, "beta": beta}


def reference(x, edge_index, edge_attr, W1, b1, W2, b2, W3, b3, gamma, beta):
    col = edge_index[1]
    # scatter_sum(edge_attr, col, dim=0) -> aggregate messages into destination nodes
    agg = jax.ops.segment_sum(edge_attr, col, num_segments=x.shape[0])
    h = jnp.concatenate([x, agg], axis=-1)
    # MLP: Linear -> ReLU -> Linear -> ReLU -> Linear -> LayerNorm
    h = jnp.maximum(h @ W1 + b1, 0.0)
    h = jnp.maximum(h @ W2 + b2, 0.0)
    h = h @ W3 + b3
    mean = jnp.mean(h, axis=-1, keepdims=True)
    var = jnp.var(h, axis=-1, keepdims=True)
    out = (h - mean) / jnp.sqrt(var + 1e-5) * gamma + beta
    return out

if __name__ == "__main__":
    import jax
    _d = setup_inputs()
    print(jax.jit(kernel)(*tuple(_d.values())))

</pallas_src>

<mosaic_0001>
#map = affine_map<(d0, d1) -> (0)>
#map1 = affine_map<(d0, d1) -> (0, 0)>
#map2 = affine_map<(d0, d1) -> (0, 0, 0)>
module attributes {stable_mosaic.version = 14 : i64} {
  func.func @_sc_segment_sum(%arg0: i32, %arg1: i32, %arg2: memref<640000xi32, #tpu.memory_space<hbm>>, %arg3: memref<320000x128xf32, #tpu.memory_space<hbm>>, %arg4: memref<10000x128xf32, #tpu.memory_space<hbm>>, %arg5: memref<2x10000x128xf32, #tpu.memory_space<hbm>>, %arg6: memref<3x128xi32, #tpu.memory_space<vmem>>, %arg7: memref<1x16xi32, #tpu.memory_space<vmem>>, %arg8: memref<3x128x128xf32, #tpu.memory_space<vmem>>, %arg9: memref<10000x128xf32, #tpu.memory_space<vmem_shared>>, %arg10: memref<3x!tpu.dma_semaphore, #tpu.memory_space<semaphore_mem>>, %arg11: memref<!tpu.dma_semaphore, #tpu.memory_space<semaphore_mem>>) attributes {dimension_semantics = [#tpu.dimension_semantics<core_parallel>, #tpu.dimension_semantics<subcore_parallel>], iteration_bounds = array<i64: 2, 16>, scalar_prefetch = 0 : i64, scratch_operands = 6 : i64, tpu.core_type = #tpu.core_type<sc_vector_subcore>, window_params = [{transform_indices = #map}, {transform_indices = #map1}, {transform_indices = #map1}, {transform_indices = #map2}]} {
    %mul3A = arith.constant 16 : i32
    %mul3A_0 = arith.muli %arg0, %mul3A : i32
    %add3A = arith.addi %mul3A_0, %arg1 : i32
    %mul3A_1 = arith.constant 10000 : i32
    %mul3A_2 = arith.muli %add3A, %mul3A_1 : i32
    %mul3A_3 = arith.constant 624 : i32
    %mul3A_4 = arith.muli %arg1, %mul3A_3 : i32
    %multiple_of3A = tpu.assume_multiple %mul3A_4, 8 : i32
    %dma_start3A = arith.constant 0 : i32
    %dma_start3A_5 = tpu.memref_slice %arg9[%multiple_of3A, %dma_start3A] : memref<10000x128xf32, #tpu.memory_space<vmem_shared>> -> memref<624x128xf32, #tpu.memory_space<vmem_shared>>
    %dma_start3A_6 = arith.constant 0 : i32
    %dma_start3A_7 = tpu.memref_slice %arg4[%multiple_of3A, %dma_start3A_6] : memref<10000x128xf32, #tpu.memory_space<hbm>> -> memref<624x128xf32, #tpu.memory_space<hbm>>
    tpu.enqueue_dma source(%dma_start3A_7 : memref<624x128xf32, #tpu.memory_space<hbm>>) target(%dma_start3A_5 : memref<624x128xf32, #tpu.memory_space<vmem_shared>>) target_semaphore(%arg11 : memref<!tpu.dma_semaphore, #tpu.memory_space<semaphore_mem>>)
    %add3A_8 = arith.constant 0 : i32
    %add3A_9 = arith.addi %mul3A_2, %add3A_8 : i32
    %multiple_of3A_10 = tpu.assume_multiple %add3A_9, 8 : i32
    %add3A_11 = arith.constant 320000 : i32
    %add3A_12 = arith.addi %multiple_of3A_10, %add3A_11 : i32
    %dma_start3A_13 = arith.constant 0 : i32
    %dma_start3A_14 = arith.constant 0 : i32
    %dma_start3A_15 = arith.constant 0 : i32
    %dma_start3A_16 = tpu.memref_slice %arg6[%dma_start3A_13, %dma_start3A_15] : memref<3x128xi32, #tpu.memory_space<vmem>> -> memref<1x128xi32, #tpu.memory_space<vmem>>
    %dma_start3A_17 = tpu.memref_squeeze %dma_start3A_16 : memref<1x128xi32, #tpu.memory_space<vmem>> -> memref<128xi32, #tpu.memory_space<vmem>>
    %dma_start3A_18 = tpu.memref_slice %arg2[%add3A_12] : memref<640000xi32, #tpu.memory_space<hbm>> -> memref<128xi32, #tpu.memory_space<hbm>>
    %dma_start3A_19 = tpu.memref_slice %arg10[%dma_start3A_14] : memref<3x!tpu.dma_semaphore, #tpu.memory_space<semaphore_mem>> -> memref<1x!tpu.dma_semaphore, #tpu.memory_space<semaphore_mem>>
    %dma_start3A_20 = tpu.memref_squeeze %dma_start3A_19 : memref<1x!tpu.dma_semaphore, #tpu.memory_space<semaphore_mem>> -> memref<!tpu.dma_semaphore, #tpu.memory_space<semaphore_mem>>
    %dma_start3A_21 = arith.constant 0 : i32
    %dma_start3A_22 = tpu.memref_slice %arg6[%dma_start3A_13, %dma_start3A_21] : memref<3x128xi32, #tpu.memory_space<vmem>> -> memref<1x128xi32, #tpu.memory_space<vmem>>
    %dma_start3A_23 = tpu.memref_squeeze %dma_start3A_22 : memref<1x128xi32, #tpu.memory_space<vmem>> -> memref<128xi32, #tpu.memory_space<vmem>>
    %dma_start3A_24 = tpu.memref_slice %arg2[%add3A_12] : memref<640000xi32, #tpu.memory_space<hbm>> -> memref<128xi32, #tpu.memory_space<hbm>>
    tpu.enqueue_dma source(%dma_start3A_24 : memref<128xi32, #tpu.memory_space<hbm>>) target(%dma_start3A_23 : memref<128xi32, #tpu.memory_space<vmem>>) target_semaphore(%dma_start3A_20 : memref<!tpu.dma_semaphore, #tpu.memory_space<semaphore_mem>>)
    %dma_start3A_25 = arith.constant 0 : i32
    %dma_start3A_26 = arith.constant 0 : i32
    %dma_start3A_27 = arith.constant 0 : i32
    %dma_start3A_28 = arith.constant 0 : i32
    %dma_start3A_29 = tpu.memref_slice %arg8[%dma_start3A_25, %dma_start3A_27, %dma_start3A_28] : memref<3x128x128xf32, #tpu.memory_space<vmem>> -> memref<1x128x128xf32, #tpu.memory_space<vmem>>
    %dma_start3A_30 = tpu.memref_squeeze %dma_start3A_29 : memref<1x128x128xf32, #tpu.memory_space<vmem>> -> memref<128x128xf32, #tpu.memory_space<vmem>>
    %dma_start3A_31 = arith.constant 0 : i32
    %dma_start3A_32 = tpu.memref_slice %arg3[%multiple_of3A_10, %dma_start3A_31] : memref<320000x128xf32, #tpu.memory_space<hbm>> -> memref<128x128xf32, #tpu.memory_space<hbm>>
    %dma_start3A_33 = tpu.memref_slice %arg10[%dma_start3A_26] : memref<3x!tpu.dma_semaphore, #tpu.memory_space<semaphore_mem>> -> memref<1x!tpu.dma_semaphore, #tpu.memory_space<semaphore_mem>>
    %dma_start3A_34 = tpu.memref_squeeze %dma_start3A_33 : memref<1x!tpu.dma_semaphore, #tpu.memory_space<semaphore_mem>> -> memref<!tpu.dma_semaphore, #tpu.memory_space<semaphore_mem>>
    %dma_start3A_35 = arith.constant 0 : i32
    %dma_start3A_36 = arith.constant 0 : i32
    %dma_start3A_37 = tpu.memref_slice %arg8[%dma_start3A_25, %dma_start3A_35, %dma_start3A_36] : memref<3x128x128xf32, #tpu.memory_space<vmem>> -> memref<1x128x128xf32, #tpu.memory_space<vmem>>
    %dma_start3A_38 = tpu.memref_squeeze %dma_start3A_37 : memref<1x128x128xf32, #tpu.memory_space<vmem>> -> memref<128x128xf32, #tpu.memory_space<vmem>>
    %dma_start3A_39 = arith.constant 0 : i32
    %dma_start3A_40 = tpu.memref_slice %arg3[%multiple_of3A_10, %dma_start3A_39] : memref<320000x128xf32, #tpu.memory_space<hbm>> -> memref<128x128xf32, #tpu.memory_space<hbm>>
    tpu.enqueue_dma source(%dma_start3A_40 : memref<128x128xf32, #tpu.memory_space<hbm>>) target(%dma_start3A_38 : memref<128x128xf32, #tpu.memory_space<vmem>>) target_semaphore(%dma_start3A_34 : memref<!tpu.dma_semaphore, #tpu.memory_space<semaphore_mem>>)
    %add3A_41 = arith.constant 128 : i32
    %add3A_42 = arith.addi %mul3A_2, %add3A_41 : i32
    %multiple_of3A_43 = tpu.assume_multiple %add3A_42, 8 : i32
    %add3A_44 = arith.constant 320000 : i32
    %add3A_45 = arith.addi %multiple_of3A_43, %add3A_44 : i32
    %dma_start3A_46 = arith.constant 1 : i32
    %dma_start3A_47 = arith.constant 1 : i32
    %dma_start3A_48 = arith.constant 0 : i32
    %dma_start3A_49 = tpu.memref_slice %arg6[%dma_start3A_46, %dma_start3A_48] : memref<3x128xi32, #tpu.memory_space<vmem>> -> memref<1x128xi32, #tpu.memory_space<vmem>>
    %dma_start3A_50 = tpu.memref_squeeze %dma_start3A_49 : memref<1x128xi32, #tpu.memory_space<vmem>> -> memref<128xi32, #tpu.memory_space<vmem>>
    %dma_start3A_51 = tpu.memref_slice %arg2[%add3A_45] : memref<640000xi32, #tpu.memory_space<hbm>> -> memref<128xi32, #tpu.memory_space<hbm>>
    %dma_start3A_52 = tpu.memref_slice %arg10[%dma_start3A_47] : memref<3x!tpu.dma_semaphore, #tpu.memory_space<semaphore_mem>> -> memref<1x!tpu.dma_semaphore, #tpu.memory_space<semaphore_mem>>
    %dma_start3A_53 = tpu.memref_squeeze %dma_start3A_52 : memref<1x!tpu.dma_semaphore, #tpu.memory_space<semaphore_mem>> -> memref<!tpu.dma_semaphore, #tpu.memory_space<semaphore_mem>>
    %dma_start3A_54 = arith.constant 0 : i32
    %dma_start3A_55 = tpu.memref_slice %arg6[%dma_start3A_46, %dma_start3A_54] : memref<3x128xi32, #tpu.memory_space<vmem>> -> memref<1x128xi32, #tpu.memory_space<vmem>>
    %dma_start3A_56 = tpu.memref_squeeze %dma_start3A_55 : memref<1x128xi32, #tpu.memory_space<vmem>> -> memref<128xi32, #tpu.memory_space<vmem>>
    %dma_start3A_57 = tpu.memref_slice %arg2[%add3A_45] : memref<640000xi32, #tpu.memory_space<hbm>> -> memref<128xi32, #tpu.memory_space<hbm>>
    tpu.enqueue_dma source(%dma_start3A_57 : memref<128xi32, #tpu.memory_space<hbm>>) target(%dma_start3A_56 : memref<128xi32, #tpu.memory_space<vmem>>) target_semaphore(%dma_start3A_53 : memref<!tpu.dma_semaphore, #tpu.memory_space<semaphore_mem>>)
    %dma_start3A_58 = arith.constant 1 : i32
    %dma_start3A_59 = arith.constant 1 : i32
    %dma_start3A_60 = arith.constant 0 : i32
    %dma_start3A_61 = arith.constant 0 : i32
    %dma_start3A_62 = tpu.memref_slice %arg8[%dma_start3A_58, %dma_start3A_60, %dma_start3A_61] : memref<3x128x128xf32, #tpu.memory_space<vmem>> -> memref<1x128x128xf32, #tpu.memory_space<vmem>>
    %dma_start3A_63 = tpu.memref_squeeze %dma_start3A_62 : memref<1x128x128xf32, #tpu.memory_space<vmem>> -> memref<128x128xf32, #tpu.memory_space<vmem>>
    %dma_start3A_64 = arith.constant 0 : i32
    %dma_start3A_65 = tpu.memref_slice %arg3[%multiple_of3A_43, %dma_start3A_64] : memref<320000x128xf32, #tpu.memory_space<hbm>> -> memref<128x128xf32, #tpu.memory_space<hbm>>
    %dma_start3A_66 = tpu.memref_slice %arg10[%dma_start3A_59] : memref<3x!tpu.dma_semaphore, #tpu.memory_space<semaphore_mem>> -> memref<1x!tpu.dma_semaphore, #tpu.memory_space<semaphore_mem>>
    %dma_start3A_67 = tpu.memref_squeeze %dma_start3A_66 : memref<1x!tpu.dma_semaphore, #tpu.memory_space<semaphore_mem>> -> memref<!tpu.dma_semaphore, #tpu.memory_space<semaphore_mem>>
    %dma_start3A_68 = arith.constant 0 : i32
    %dma_start3A_69 = arith.constant 0 : i32
    %dma_start3A_70 = tpu.memref_slice %arg8[%dma_start3A_58, %dma_start3A_68, %dma_start3A_69] : memref<3x128x128xf32, #tpu.memory_space<vmem>> -> memref<1x128x128xf32, #tpu.memory_space<vmem>>
    %dma_start3A_71 = tpu.memref_squeeze %dma_start3A_70 : memref<1x128x128xf32, #tpu.memory_space<vmem>> -> memref<128x128xf32, #tpu.memory_space<vmem>>
    %dma_start3A_72 = arith.constant 0 : i32
    %dma_start3A_73 = tpu.memref_slice %arg3[%multiple_of3A_43, %dma_start3A_72] : memref<320000x128xf32, #tpu.memory_space<hbm>> -> memref<128x128xf32, #tpu.memory_space<hbm>>
    tpu.enqueue_dma source(%dma_start3A_73 : memref<128x128xf32, #tpu.memory_space<hbm>>) target(%dma_start3A_71 : memref<128x128xf32, #tpu.memory_space<vmem>>) target_semaphore(%dma_start3A_67 : memref<!tpu.dma_semaphore, #tpu.memory_space<semaphore_mem>>)
    %add3A_74 = arith.constant 256 : i32
    %add3A_75 = arith.addi %mul3A_2, %add3A_74 : i32
    %multiple_of3A_76 = tpu.assume_multiple %add3A_75, 8 : i32
    %add3A_77 = arith.constant 320000 : i32
    %add3A_78 = arith.addi %multiple_of3A_76, %add3A_77 : i32
    %dma_start3A_79 = arith.constant 2 : i32
    %dma_start3A_80 = arith.constant 2 : i32
    %dma_start3A_81 = arith.constant 0 : i32
    %dma_start3A_82 = tpu.memref_slice %arg6[%dma_start3A_79, %dma_start3A_81] : memref<3x128xi32, #tpu.memory_space<vmem>> -> memref<1x128xi32, #tpu.memory_space<vmem>>
    %dma_start3A_83 = tpu.memref_squeeze %dma_start3A_82 : memref<1x128xi32, #tpu.memory_space<vmem>> -> memref<128xi32, #tpu.memory_space<vmem>>
    %dma_start3A_84 = tpu.memref_slice %arg2[%add3A_78] : memref<640000xi32, #tpu.memory_space<hbm>> -> memref<128xi32, #tpu.memory_space<hbm>>
    %dma_start3A_85 = tpu.memref_slice %arg10[%dma_start3A_80] : memref<3x!tpu.dma_semaphore, #tpu.memory_space<semaphore_mem>> -> memref<1x!tpu.dma_semaphore, #tpu.memory_space<semaphore_mem>>
    %dma_start3A_86 = tpu.memref_squeeze %dma_start3A_85 : memref<1x!tpu.dma_semaphore, #tpu.memory_space<semaphore_mem>> -> memref<!tpu.dma_semaphore, #tpu.memory_space<semaphore_mem>>
    %dma_start3A_87 = arith.constant 0 : i32
    %dma_start3A_88 = tpu.memref_slice %arg6[%dma_start3A_79, %dma_start3A_87] : memref<3x128xi32, #tpu.memory_space<vmem>> -> memref<1x128xi32, #tpu.memory_space<vmem>>
    %dma_start3A_89 = tpu.memref_squeeze %dma_start3A_88 : memref<1x128xi32, #tpu.memory_space<vmem>> -> memref<128xi32, #tpu.memory_space<vmem>>
    %dma_start3A_90 = tpu.memref_slice %arg2[%add3A_78] : memref<640000xi32, #tpu.memory_space<hbm>> -> memref<128xi32, #tpu.memory_space<hbm>>
    tpu.enqueue_dma source(%dma_start3A_90 : memref<128xi32, #tpu.memory_space<hbm>>) target(%dma_start3A_89 : memref<128xi32, #tpu.memory_space<vmem>>) target_semaphore(%dma_start3A_86 : memref<!tpu.dma_semaphore, #tpu.memory_space<semaphore_mem>>)
    %dma_start3A_91 = arith.constant 2 : i32
    %dma_start3A_92 = arith.constant 2 : i32
    %dma_start3A_93 = arith.constant 0 : i32
    %dma_start3A_94 = arith.constant 0 : i32
    %dma_start3A_95 = tpu.memref_slice %arg8[%dma_start3A_91, %dma_start3A_93, %dma_start3A_94] : memref<3x128x128xf32, #tpu.memory_space<vmem>> -> memref<1x128x128xf32, #tpu.memory_space<vmem>>
    %dma_start3A_96 = tpu.memref_squeeze %dma_start3A_95 : memref<1x128x128xf32, #tpu.memory_space<vmem>> -> memref<128x128xf32, #tpu.memory_space<vmem>>
    %dma_start3A_97 = arith.constant 0 : i32
    %dma_start3A_98 = tpu.memref_slice %arg3[%multiple_of3A_76, %dma_start3A_97] : memref<320000x128xf32, #tpu.memory_space<hbm>> -> memref<128x128xf32, #tpu.memory_space<hbm>>
    %dma_start3A_99 = tpu.memref_slice %arg10[%dma_start3A_92] : memref<3x!tpu.dma_semaphore, #tpu.memory_space<semaphore_mem>> -> memref<1x!tpu.dma_semaphore, #tpu.memory_space<semaphore_mem>>
    %dma_start3A_100 = tpu.memref_squeeze %dma_start3A_99 : memref<1x!tpu.dma_semaphore, #tpu.memory_space<semaphore_mem>> -> memref<!tpu.dma_semaphore, #tpu.memory_space<semaphore_mem>>
    %dma_start3A_101 = arith.constant 0 : i32
    %dma_start3A_102 = arith.constant 0 : i32
    %dma_start3A_103 = tpu.memref_slice %arg8[%dma_start3A_91, %dma_start3A_101, %dma_start3A_102] : memref<3x128x128xf32, #tpu.memory_space<vmem>> -> memref<1x128x128xf32, #tpu.memory_space<vmem>>
    %dma_start3A_104 = tpu.memref_squeeze %dma_start3A_103 : memref<1x128x128xf32, #tpu.memory_space<vmem>> -> memref<128x128xf32, #tpu.memory_space<vmem>>
    %dma_start3A_105 = arith.constant 0 : i32
    %dma_start3A_106 = tpu.memref_slice %arg3[%multiple_of3A_76, %dma_start3A_105] : memref<320000x128xf32, #tpu.memory_space<hbm>> -> memref<128x128xf32, #tpu.memory_space<hbm>>
    tpu.enqueue_dma source(%dma_start3A_106 : memref<128x128xf32, #tpu.memory_space<hbm>>) target(%dma_start3A_104 : memref<128x128xf32, #tpu.memory_space<vmem>>) target_semaphore(%dma_start3A_100 : memref<!tpu.dma_semaphore, #tpu.memory_space<semaphore_mem>>)
    %dma_wait3A = arith.constant 0 : i32
    %dma_wait3A_107 = tpu.memref_slice %arg9[%multiple_of3A, %dma_wait3A] : memref<10000x128xf32, #tpu.memory_space<vmem_shared>> -> memref<624x128xf32, #tpu.memory_space<vmem_shared>>
    %dma_wait3A_108 = arith.constant 0 : i32
    %dma_wait3A_109 = tpu.memref_slice %arg4[%multiple_of3A, %dma_wait3A_108] : memref<10000x128xf32, #tpu.memory_space<hbm>> -> memref<624x128xf32, #tpu.memory_space<hbm>>
    tpu.wait_dma2 semaphore(%arg11 : memref<!tpu.dma_semaphore, #tpu.memory_space<semaphore_mem>>) src(%dma_wait3A_109 : memref<624x128xf32, #tpu.memory_space<hbm>>) dst(%dma_wait3A_107 : memref<624x128xf32, #tpu.memory_space<vmem_shared>>)
    %eq3A = arith.constant 15 : i32
    %eq3A_110 = arith.cmpi eq, %arg1, %eq3A : i32
    %convert_element_type3A = arith.extui %eq3A_110 : i1 to i32
    %cond3A = arith.constant 0 : i32
    %cond3A_111 = arith.cmpi ne, %convert_element_type3A, %cond3A : i32
    scf.if %cond3A_111 {
      "tpu.region"() ({
        %run_scoped3A_131 = tpu.sem_alloc : memref<!tpu.dma_semaphore, #tpu.memory_space<semaphore_mem>>
        %dma_start3A_132 = arith.constant 9984 : i32
        %dma_start3A_133 = arith.constant 0 : i32
        %dma_start3A_134 = tpu.memref_slice %arg9[%dma_start3A_132, %dma_start3A_133] : memref<10000x128xf32, #tpu.memory_space<vmem_shared>> -> memref<16x128xf32, #tpu.memory_space<vmem_shared>>
        %dma_start3A_135 = arith.constant 9984 : i32
        %dma_start3A_136 = arith.constant 0 : i32
        %dma_start3A_137 = tpu.memref_slice %arg4[%dma_start3A_135, %dma_start3A_136] : memref<10000x128xf32, #tpu.memory_space<hbm>> -> memref<16x128xf32, #tpu.memory_space<hbm>>
        tpu.enqueue_dma source(%dma_start3A_137 : memref<16x128xf32, #tpu.memory_space<hbm>>) target(%dma_start3A_134 : memref<16x128xf32, #tpu.memory_space<vmem_shared>>) target_semaphore(%run_scoped3A_131 : memref<!tpu.dma_semaphore, #tpu.memory_space<semaphore_mem>>)
        %dma_wait3A_138 = arith.constant 9984 : i32
        %dma_wait3A_139 = arith.constant 0 : i32
        %dma_wait3A_140 = tpu.memref_slice %arg9[%dma_wait3A_138, %dma_wait3A_139] : memref<10000x128xf32, #tpu.memory_space<vmem_shared>> -> memref<16x128xf32, #tpu.memory_space<vmem_shared>>
        %dma_wait3A_141 = arith.constant 9984 : i32
        %dma_wait3A_142 = arith.constant 0 : i32
        %dma_wait3A_143 = tpu.memref_slice %arg4[%dma_wait3A_141, %dma_wait3A_142] : memref<10000x128xf32, #tpu.memory_space<hbm>> -> memref<16x128xf32, #tpu.memory_space<hbm>>
        tpu.wait_dma2 semaphore(%run_scoped3A_131 : memref<!tpu.dma_semaphore, #tpu.memory_space<semaphore_mem>>) src(%dma_wait3A_143 : memref<16x128xf32, #tpu.memory_space<hbm>>) dst(%dma_wait3A_140 : memref<16x128xf32, #tpu.memory_space<vmem_shared>>)
        tpu.yield
      }) : () -> ()
    } else {
    }
    %barrier3A = arith.constant 0 : index
    tpu.barrier barrier_id(%barrier3A)
    %scan3A = arith.constant 0 : i32
    %scan3A_112 = arith.constant 0 : i32
    %scan3A_113 = arith.constant 26 : i32
    %scan3A_114 = arith.addi %scan3A_112, %scan3A_113 : i32
    %scan3A_115 = arith.constant 1 : i32
    scf.for %scan3A_131 = %scan3A_112 to %scan3A_114 step %scan3A_115  : i32 {
      %mul3A_132 = arith.constant 3 : i32
      %mul3A_133 = arith.muli %scan3A_131, %mul3A_132 : i32
      %add3A_134 = arith.constant 0 : i32
      %add3A_135 = arith.addi %mul3A_133, %add3A_134 : i32
      %mul3A_136 = arith.constant 128 : i32
      %mul3A_137 = arith.muli %add3A_135, %mul3A_136 : i32
      %add3A_138 = arith.addi %mul3A_2, %mul3A_137 : i32
      %multiple_of3A_139 = tpu.assume_multiple %add3A_138, 8 : i32
      %add3A_140 = arith.constant 320000 : i32
      %add3A_141 = arith.addi %multiple_of3A_139, %add3A_140 : i32
      %dma_wait3A_142 = arith.constant 0 : i32
      %dma_wait3A_143 = arith.constant 0 : i32
      %dma_wait3A_144 = arith.constant 0 : i32
      %dma_wait3A_145 = tpu.memref_slice %arg6[%dma_wait3A_142, %dma_wait3A_144] : memref<3x128xi32, #tpu.memory_space<vmem>> -> memref<1x128xi32, #tpu.memory_space<vmem>>
      %dma_wait3A_146 = tpu.memref_squeeze %dma_wait3A_145 : memref<1x128xi32, #tpu.memory_space<vmem>> -> memref<128xi32, #tpu.memory_space<vmem>>
      %dma_wait3A_147 = tpu.memref_slice %arg2[%add3A_141] : memref<640000xi32, #tpu.memory_space<hbm>> -> memref<128xi32, #tpu.memory_space<hbm>>
      %dma_wait3A_148 = tpu.memref_slice %arg10[%dma_wait3A_143] : memref<3x!tpu.dma_semaphore, #tpu.memory_space<semaphore_mem>> -> memref<1x!tpu.dma_semaphore, #tpu.memory_space<semaphore_mem>>
      %dma_wait3A_149 = tpu.memref_squeeze %dma_wait3A_148 : memref<1x!tpu.dma_semaphore, #tpu.memory_space<semaphore_mem>> -> memref<!tpu.dma_semaphore, #tpu.memory_space<semaphore_mem>>
      %dma_wait3A_150 = arith.constant 0 : i32
      %dma_wait3A_151 = tpu.memref_slice %arg6[%dma_wait3A_142, %dma_wait3A_150] : memref<3x128xi32, #tpu.memory_space<vmem>> -> memref<1x128xi32, #tpu.memory_space<vmem>>
      %dma_wait3A_152 = tpu.memref_squeeze %dma_wait3A_151 : memref<1x128xi32, #tpu.memory_space<vmem>> -> memref<128xi32, #tpu.memory_space<vmem>>
      %dma_wait3A_153 = tpu.memref_slice %arg2[%add3A_141] : memref<640000xi32, #tpu.memory_space<hbm>> -> memref<128xi32, #tpu.memory_space<hbm>>
      tpu.wait_dma2 semaphore(%dma_wait3A_149 : memref<!tpu.dma_semaphore, #tpu.memory_space<semaphore_mem>>) src(%dma_wait3A_153 : memref<128xi32, #tpu.memory_space<hbm>>) dst(%dma_wait3A_152 : memref<128xi32, #tpu.memory_space<vmem>>)
      %dma_wait3A_154 = arith.constant 0 : i32
      %dma_wait3A_155 = arith.constant 0 : i32
      %dma_wait3A_156 = arith.constant 0 : i32
      %dma_wait3A_157 = arith.constant 0 : i32
      %dma_wait3A_158 = tpu.memref_slice %arg8[%dma_wait3A_154, %dma_wait3A_156, %dma_wait3A_157] : memref<3x128x128xf32, #tpu.memory_space<vmem>> -> memref<1x128x128xf32, #tpu.memory_space<vmem>>
      %dma_wait3A_159 = tpu.memref_squeeze %dma_wait3A_158 : memref<1x128x128xf32, #tpu.memory_space<vmem>> -> memref<128x128xf32, #tpu.memory_space<vmem>>
      %dma_wait3A_160 = arith.constant 0 : i32
      %dma_wait3A_161 = tpu.memref_slice %arg3[%multiple_of3A_139, %dma_wait3A_160] : memref<320000x128xf32, #tpu.memory_space<hbm>> -> memref<128x128xf32, #tpu.memory_space<hbm>>
      %dma_wait3A_162 = tpu.memref_slice %arg10[%dma_wait3A_155] : memref<3x!tpu.dma_semaphore, #tpu.memory_space<semaphore_mem>> -> memref<1x!tpu.dma_semaphore, #tpu.memory_space<semaphore_mem>>
      %dma_wait3A_163 = tpu.memref_squeeze %dma_wait3A_162 : memref<1x!tpu.dma_semaphore, #tpu.memory_space<semaphore_mem>> -> memref<!tpu.dma_semaphore, #tpu.memory_space<semaphore_mem>>
      %dma_wait3A_164 = arith.constant 0 : i32
      %dma_wait3A_165 = arith.constant 0 : i32
      %dma_wait3A_166 = tpu.memref_slice %arg8[%dma_wait3A_154, %dma_wait3A_164, %dma_wait3A_165] : memref<3x128x128xf32, #tpu.memory_space<vmem>> -> memref<1x128x128xf32, #tpu.memory_space<vmem>>
      %dma_wait3A_167 = tpu.memref_squeeze %dma_wait3A_166 : memref<1x128x128xf32, #tpu.memory_space<vmem>> -> memref<128x128xf32, #tpu.memory_space<vmem>>
      %dma_wait3A_168 = arith.constant 0 : i32
      %dma_wait3A_169 = tpu.memref_slice %arg3[%multiple_of3A_139, %dma_wait3A_168] : memref<320000x128xf32, #tpu.memory_space<hbm>> -> memref<128x128xf32, #tpu.memory_space<hbm>>
      tpu.wait_dma2 semaphore(%dma_wait3A_163 : memref<!tpu.dma_semaphore, #tpu.memory_space<semaphore_mem>>) src(%dma_wait3A_169 : memref<128x128xf32, #tpu.memory_space<hbm>>) dst(%dma_wait3A_167 : memref<128x128xf32, #tpu.memory_space<vmem>>)
      %run_scoped3A_170 = arith.constant 0 : i32
      %run_scoped3A_171 = arith.constant 0 : i32
      "tpu.region"() ({
        %run_scoped3A_268 = tpu.sem_alloc : memref<!tpu.dma_semaphore, #tpu.memory_space<semaphore_mem>>
        %dma_start3A_269 = arith.constant 0 : i32
        %dma_start3A_270 = arith.constant 0 : i32
        %dma_start3A_271 = tpu.memref_slice %arg8[%run_scoped3A_170, %dma_start3A_269, %dma_start3A_270] : memref<3x128x128xf32, #tpu.memory_space<vmem>> -> memref<1x128x128xf32, #tpu.memory_space<vmem>>
        %dma_start3A_272 = tpu.memref_squeeze %dma_start3A_271 : memref<1x128x128xf32, #tpu.memory_space<vmem>> -> memref<128x128xf32, #tpu.memory_space<vmem>>
        %dma_start3A_273 = arith.constant 0 : i32
        %dma_start3A_274 = tpu.memref_slice %arg6[%run_scoped3A_171, %dma_start3A_273] : memref<3x128xi32, #tpu.memory_space<vmem>> -> memref<1x128xi32, #tpu.memory_space<vmem>>
        %dma_start3A_275 = tpu.memref_squeeze %dma_start3A_274 : memref<1x128xi32, #tpu.memory_space<vmem>> -> memref<128xi32, #tpu.memory_space<vmem>>
        %dma_start3A_276 = arith.constant 0 : i32
        %dma_start3A_277 = arith.constant 0 : i32
        %dma_start3A_278 = tpu.memref_slice %arg9[%dma_start3A_276, %dma_start3A_277] : memref<10000x128xf32, #tpu.memory_space<vmem_shared>> -> memref<10000x128xf32, #tpu.memory_space<vmem_shared>>
        tpu.enqueue_indirect_dma source(%dma_start3A_272 : memref<128x128xf32, #tpu.memory_space<vmem>>) target(%dma_start3A_278 : memref<10000x128xf32, #tpu.memory_space<vmem_shared>>) offsets(%dma_start3A_275 : memref<128xi32, #tpu.memory_space<vmem>>) semaphore(%run_scoped3A_268 : memref<!tpu.dma_semaphore, #tpu.memory_space<semaphore_mem>>) {add = true}
        %dma_wait3A_279 = arith.constant 0 : i32
        %dma_wait3A_280 = arith.constant 0 : i32
        %dma_wait3A_281 = tpu.memref_slice %arg8[%run_scoped3A_170, %dma_wait3A_279, %dma_wait3A_280] : memref<3x128x128xf32, #tpu.memory_space<vmem>> -> memref<1x128x128xf32, #tpu.memory_space<vmem>>
        %dma_wait3A_282 = tpu.memref_squeeze %dma_wait3A_281 : memref<1x128x128xf32, #tpu.memory_space<vmem>> -> memref<128x128xf32, #tpu.memory_space<vmem>>
        %dma_wait3A_283 = arith.constant 0 : i32
        %dma_wait3A_284 = tpu.memref_slice %arg6[%run_scoped3A_171, %dma_wait3A_283] : memref<3x128xi32, #tpu.memory_space<vmem>> -> memref<1x128xi32, #tpu.memory_space<vmem>>
        %dma_wait3A_285 = tpu.memref_squeeze %dma_wait3A_284 : memref<1x128xi32, #tpu.memory_space<vmem>> -> memref<128xi32, #tpu.memory_space<vmem>>
        %dma_wait3A_286 = arith.constant 0 : i32
        %dma_wait3A_287 = arith.constant 0 : i32
        %dma_wait3A_288 = tpu.memref_slice %arg9[%dma_wait3A_286, %dma_wait3A_287] : memref<10000x128xf32, #tpu.memory_space<vmem_shared>> -> memref<10000x128xf32, #tpu.memory_space<vmem_shared>>
        tpu.wait_indirect_dma semaphore(%run_scoped3A_268 : memref<!tpu.dma_semaphore, #tpu.memory_space<semaphore_mem>>) src(%dma_wait3A_282 : memref<128x128xf32, #tpu.memory_space<vmem>>) dst(%dma_wait3A_288 : memref<10000x128xf32, #tpu.memory_space<vmem_shared>>)
        tpu.yield
      }) : () -> ()
      %add3A_172 = arith.constant 3 : i32
      %add3A_173 = arith.addi %add3A_135, %add3A_172 : i32
      %lt3A = arith.constant 78 : i32
      %lt3A_174 = arith.cmpi slt, %add3A_173, %lt3A : i32
      %convert_element_type3A_175 = arith.extui %lt3A_174 : i1 to i32
      %cond3A_176 = arith.constant 0 : i32
      %cond3A_177 = arith.cmpi ne, %convert_element_type3A_175, %cond3A_176 : i32
      scf.if %cond3A_177 {
        %mul3A_268 = arith.constant 128 : i32
        %mul3A_269 = arith.muli %add3A_173, %mul3A_268 : i32
        %add3A_270 = arith.addi %mul3A_2, %mul3A_269 : i32
        %multiple_of3A_271 = tpu.assume_multiple %add3A_270, 8 : i32
        %add3A_272 = arith.constant 320000 : i32
        %add3A_273 = arith.addi %multiple_of3A_271, %add3A_272 : i32
        %dma_start3A_274 = arith.constant 0 : i32
        %dma_start3A_275 = arith.constant 0 : i32
        %dma_start3A_276 = arith.constant 0 : i32
        %dma_start3A_277 = tpu.memref_slice %arg6[%dma_start3A_274, %dma_start3A_276] : memref<3x128xi32, #tpu.memory_space<vmem>> -> memref<1x128xi32, #tpu.memory_space<vmem>>
        %dma_start3A_278 = tpu.memref_squeeze %dma_start3A_277 : memref<1x128xi32, #tpu.memory_space<vmem>> -> memref<128xi32, #tpu.memory_space<vmem>>
        %dma_start3A_279 = tpu.memref_slice %arg2[%add3A_273] : memref<640000xi32, #tpu.memory_space<hbm>> -> memref<128xi32, #tpu.memory_space<hbm>>
        %dma_start3A_280 = tpu.memref_slice %arg10[%dma_start3A_275] : memref<3x!tpu.dma_semaphore, #tpu.memory_space<semaphore_mem>> -> memref<1x!tpu.dma_semaphore, #tpu.memory_space<semaphore_mem>>
        %dma_start3A_281 = tpu.memref_squeeze %dma_start3A_280 : memref<1x!tpu.dma_semaphore, #tpu.memory_space<semaphore_mem>> -> memref<!tpu.dma_semaphore, #tpu.memory_space<semaphore_mem>>
        %dma_start3A_282 = arith.constant 0 : i32
        %dma_start3A_283 = tpu.memref_slice %arg6[%dma_start3A_274, %dma_start3A_282] : memref<3x128xi32, #tpu.memory_space<vmem>> -> memref<1x128xi32, #tpu.memory_space<vmem>>
        %dma_start3A_284 = tpu.memref_squeeze %dma_start3A_283 : memref<1x128xi32, #tpu.memory_space<vmem>> -> memref<128xi32, #tpu.memory_space<vmem>>
        %dma_start3A_285 = tpu.memref_slice %arg2[%add3A_273] : memref<640000xi32, #tpu.memory_space<hbm>> -> memref<128xi32, #tpu.memory_space<hbm>>
        tpu.enqueue_dma source(%dma_start3A_285 : memref<128xi32, #tpu.memory_space<hbm>>) target(%dma_start3A_284 : memref<128xi32, #tpu.memory_space<vmem>>) target_semaphore(%dma_start3A_281 : memref<!tpu.dma_semaphore, #tpu.memory_space<semaphore_mem>>)
        %dma_start3A_286 = arith.constant 0 : i32
        %dma_start3A_287 = arith.constant 0 : i32
        %dma_start3A_288 = arith.constant 0 : i32
        %dma_start3A_289 = arith.constant 0 : i32
        %dma_start3A_290 = tpu.memref_slice %arg8[%dma_start3A_286, %dma_start3A_288, %dma_start3A_289] : memref<3x128x128xf32, #tpu.memory_space<vmem>> -> memref<1x128x128xf32, #tpu.memory_space<vmem>>
        %dma_start3A_291 = tpu.memref_squeeze %dma_start3A_290 : memref<1x128x128xf32, #tpu.memory_space<vmem>> -> memref<128x128xf32, #tpu.memory_space<vmem>>
        %dma_start3A_292 = arith.constant 0 : i32
        %dma_start3A_293 = tpu.memref_slice %arg3[%multiple_of3A_271, %dma_start3A_292] : memref<320000x128xf32, #tpu.memory_space<hbm>> -> memref<128x128xf32, #tpu.memory_space<hbm>>
        %dma_start3A_294 = tpu.memref_slice %arg10[%dma_start3A_287] : memref<3x!tpu.dma_semaphore, #tpu.memory_space<semaphore_mem>> -> memref<1x!tpu.dma_semaphore, #tpu.memory_space<semaphore_mem>>
        %dma_start3A_295 = tpu.memref_squeeze %dma_start3A_294 : memref<1x!tpu.dma_semaphore, #tpu.memory_space<semaphore_mem>> -> memref<!tpu.dma_semaphore, #tpu.memory_space<semaphore_mem>>
        %dma_start3A_296 = arith.constant 0 : i32
        %dma_start3A_297 = arith.constant 0 : i32
        %dma_start3A_298 = tpu.memref_slice %arg8[%dma_start3A_286, %dma_start3A_296, %dma_start3A_297] : memref<3x128x128xf32, #tpu.memory_space<vmem>> -> memref<1x128x128xf32, #tpu.memory_space<vmem>>
        %dma_start3A_299 = tpu.memref_squeeze %dma_start3A_298 : memref<1x128x128xf32, #tpu.memory_space<vmem>> -> memref<128x128xf32, #tpu.memory_space<vmem>>
        %dma_start3A_300 = arith.constant 0 : i32
        %dma_start3A_301 = tpu.memref_slice %arg3[%multiple_of3A_271, %dma_start3A_300] : memref<320000x128xf32, #tpu.memory_space<hbm>> -> memref<128x128xf32, #tpu.memory_space<hbm>>
        tpu.enqueue_dma source(%dma_start3A_301 : memref<128x128xf32, #tpu.memory_space<hbm>>) target(%dma_start3A_299 : memref<128x128xf32, #tpu.memory_space<vmem>>) target_semaphore(%dma_start3A_295 : memref<!tpu.dma_semaphore, #tpu.memory_space<semaphore_mem>>)
      } else {
      }
      %add3A_178 = arith.constant 1 : i32
      %add3A_179 = arith.addi %mul3A_133, %add3A_178 : i32
      %mul3A_180 = arith.constant 128 : i32
      %mul3A_181 = arith.muli %add3A_179, %mul3A_180 : i32
      %add3A_182 = arith.addi %mul3A_2, %mul3A_181 : i32
      %multiple_of3A_183 = tpu.assume_multiple %add3A_182, 8 : i32
      %add3A_184 = arith.constant 320000 : i32
      %add3A_185 = arith.addi %multiple_of3A_183, %add3A_184 : i32
      %dma_wait3A_186 = arith.constant 1 : i32
      %dma_wait3A_187 = arith.constant 1 : i32
      %dma_wait3A_188 = arith.constant 0 : i32
      %dma_wait3A_189 = tpu.memref_slice %arg6[%dma_wait3A_186, %dma_wait3A_188] : memref<3x128xi32, #tpu.memory_space<vmem>> -> memref<1x128xi32, #tpu.memory_space<vmem>>
      %dma_wait3A_190 = tpu.memref_squeeze %dma_wait3A_189 : memref<1x128xi32, #tpu.memory_space<vmem>> -> memref<128xi32, #tpu.memory_space<vmem>>
      %dma_wait3A_191 = tpu.memref_slice %arg2[%add3A_185] : memref<640000xi32, #tpu.memory_space<hbm>> -> memref<128xi32, #tpu.memory_space<hbm>>
      %dma_wait3A_192 = tpu.memref_slice %arg10[%dma_wait3A_187] : memref<3x!tpu.dma_semaphore, #tpu.memory_space<semaphore_mem>> -> memref<1x!tpu.dma_semaphore, #tpu.memory_space<semaphore_mem>>
      %dma_wait3A_193 = tpu.memref_squeeze %dma_wait3A_192 : memref<1x!tpu.dma_semaphore, #tpu.memory_space<semaphore_mem>> -> memref<!tpu.dma_semaphore, #tpu.memory_space<semaphore_mem>>
      %dma_wait3A_194 = arith.constant 0 : i32
      %dma_wait3A_195 = tpu.memref_slice %arg6[%dma_wait3A_186, %dma_wait3A_194] : memref<3x128xi32, #tpu.memory_space<vmem>> -> memref<1x128xi32, #tpu.memory_space<vmem>>
      %dma_wait3A_196 = tpu.memref_squeeze %dma_wait3A_195 : memref<1x128xi32, #tpu.memory_space<vmem>> -> memref<128xi32, #tpu.memory_space<vmem>>
      %dma_wait3A_197 = tpu.memref_slice %arg2[%add3A_185] : memref<640000xi32, #tpu.memory_space<hbm>> -> memref<128xi32, #tpu.memory_space<hbm>>
      tpu.wait_dma2 semaphore(%dma_wait3A_193 : memref<!tpu.dma_semaphore, #tpu.memory_space<semaphore_mem>>) src(%dma_wait3A_197 : memref<128xi32, #tpu.memory_space<hbm>>) dst(%dma_wait3A_196 : memref<128xi32, #tpu.memory_space<vmem>>)
      %dma_wait3A_198 = arith.constant 1 : i32
      %dma_wait3A_199 = arith.constant 1 : i32
      %dma_wait3A_200 = arith.constant 0 : i32
      %dma_wait3A_201 = arith.constant 0 : i32
      %dma_wait3A_202 = tpu.memref_slice %arg8[%dma_wait3A_198, %dma_wait3A_200, %dma_wait3A_201] : memref<3x128x128xf32, #tpu.memory_space<vmem>> -> memref<1x128x128xf32, #tpu.memory_space<vmem>>
      %dma_wait3A_203 = tpu.memref_squeeze %dma_wait3A_202 : memref<1x128x128xf32, #tpu.memory_space<vmem>> -> memref<128x128xf32, #tpu.memory_space<vmem>>
      %dma_wait3A_204 = arith.constant 0 : i32
      %dma_wait3A_205 = tpu.memref_slice %arg3[%multiple_of3A_183, %dma_wait3A_204] : memref<320000x128xf32, #tpu.memory_space<hbm>> -> memref<128x128xf32, #tpu.memory_space<hbm>>
      %dma_wait3A_206 = tpu.memref_slice %arg10[%dma_wait3A_199] : memref<3x!tpu.dma_semaphore, #tpu.memory_space<semaphore_mem>> -> memref<1x!tpu.dma_semaphore, #tpu.memory_space<semaphore_mem>>
      %dma_wait3A_207 = tpu.memref_squeeze %dma_wait3A_206 : memref<1x!tpu.dma_semaphore, #tpu.memory_space<semaphore_mem>> -> memref<!tpu.dma_semaphore, #tpu.memory_space<semaphore_mem>>
      %dma_wait3A_208 = arith.constant 0 : i32
      %dma_wait3A_209 = arith.constant 0 : i32
      %dma_wait3A_210 = tpu.memref_slice %arg8[%dma_wait3A_198, %dma_wait3A_208, %dma_wait3A_209] : memref<3x128x128xf32, #tpu.memory_space<vmem>> -> memref<1x128x128xf32, #tpu.memory_space<vmem>>
      %dma_wait3A_211 = tpu.memref_squeeze %dma_wait3A_210 : memref<1x128x128xf32, #tpu.memory_space<vmem>> -> memref<128x128xf32, #tpu.memory_space<vmem>>
      %dma_wait3A_212 = arith.constant 0 : i32
      %dma_wait3A_213 = tpu.memref_slice %arg3[%multiple_of3A_183, %dma_wait3A_212] : memref<320000x128xf32, #tpu.memory_space<hbm>> -> memref<128x128xf32, #tpu.memory_space<hbm>>
      tpu.wait_dma2 semaphore(%dma_wait3A_207 : memref<!tpu.dma_semaphore, #tpu.memory_space<semaphore_mem>>) src(%dma_wait3A_213 : memref<128x128xf32, #tpu.memory_space<hbm>>) dst(%dma_wait3A_211 : memref<128x128xf32, #tpu.memory_space<vmem>>)
      %run_scoped3A_214 = arith.constant 1 : i32
      %run_scoped3A_215 = arith.constant 1 : i32
      "tpu.region"() ({
        %run_scoped3A_268 = tpu.sem_alloc : memref<!tpu.dma_semaphore, #tpu.memory_space<semaphore_mem>>
        %dma_start3A_269 = arith.constant 0 : i32
        %dma_start3A_270 = arith.constant 0 : i32
        %dma_start3A_271 = tpu.memref_slice %arg8[%run_scoped3A_214, %dma_start3A_269, %dma_start3A_270] : memref<3x128x128xf32, #tpu.memory_space<vmem>> -> memref<1x128x128xf32, #tpu.memory_space<vmem>>
        %dma_start3A_272 = tpu.memref_squeeze %dma_start3A_271 : memref<1x128x128xf32, #tpu.memory_space<vmem>> -> memref<128x128xf32, #tpu.memory_space<vmem>>
        %dma_start3A_273 = arith.constant 0 : i32
        %dma_start3A_274 = tpu.memref_slice %arg6[%run_scoped3A_215, %dma_start3A_273] : memref<3x128xi32, #tpu.memory_space<vmem>> -> memref<1x128xi32, #tpu.memory_space<vmem>>
        %dma_start3A_275 = tpu.memref_squeeze %dma_start3A_274 : memref<1x128xi32, #tpu.memory_space<vmem>> -> memref<128xi32, #tpu.memory_space<vmem>>
        %dma_start3A_276 = arith.constant 0 : i32
        %dma_start3A_277 = arith.constant 0 : i32
        %dma_start3A_278 = tpu.memref_slice %arg9[%dma_start3A_276, %dma_start3A_277] : memref<10000x128xf32, #tpu.memory_space<vmem_shared>> -> memref<10000x128xf32, #tpu.memory_space<vmem_shared>>
        tpu.enqueue_indirect_dma source(%dma_start3A_272 : memref<128x128xf32, #tpu.memory_space<vmem>>) target(%dma_start3A_278 : memref<10000x128xf32, #tpu.memory_space<vmem_shared>>) offsets(%dma_start3A_275 : memref<128xi32, #tpu.memory_space<vmem>>) semaphore(%run_scoped3A_268 : memref<!tpu.dma_semaphore, #tpu.memory_space<semaphore_mem>>) {add = true}
        %dma_wait3A_279 = arith.constant 0 : i32
        %dma_wait3A_280 = arith.constant 0 : i32
        %dma_wait3A_281 = tpu.memref_slice %arg8[%run_scoped3A_214, %dma_wait3A_279, %dma_wait3A_280] : memref<3x128x128xf32, #tpu.memory_space<vmem>> -> memref<1x128x128xf32, #tpu.memory_space<vmem>>
        %dma_wait3A_282 = tpu.memref_squeeze %dma_wait3A_281 : memref<1x128x128xf32, #tpu.memory_space<vmem>> -> memref<128x128xf32, #tpu.memory_space<vmem>>
        %dma_wait3A_283 = arith.constant 0 : i32
        %dma_wait3A_284 = tpu.memref_slice %arg6[%run_scoped3A_215, %dma_wait3A_283] : memref<3x128xi32, #tpu.memory_space<vmem>> -> memref<1x128xi32, #tpu.memory_space<vmem>>
        %dma_wait3A_285 = tpu.memref_squeeze %dma_wait3A_284 : memref<1x128xi32, #tpu.memory_space<vmem>> -> memref<128xi32, #tpu.memory_space<vmem>>
        %dma_wait3A_286 = arith.constant 0 : i32
        %dma_wait3A_287 = arith.constant 0 : i32
        %dma_wait3A_288 = tpu.memref_slice %arg9[%dma_wait3A_286, %dma_wait3A_287] : memref<10000x128xf32, #tpu.memory_space<vmem_shared>> -> memref<10000x128xf32, #tpu.memory_space<vmem_shared>>
        tpu.wait_indirect_dma semaphore(%run_scoped3A_268 : memref<!tpu.dma_semaphore, #tpu.memory_space<semaphore_mem>>) src(%dma_wait3A_282 : memref<128x128xf32, #tpu.memory_space<vmem>>) dst(%dma_wait3A_288 : memref<10000x128xf32, #tpu.memory_space<vmem_shared>>)
        tpu.yield
      }) : () -> ()
      %add3A_216 = arith.constant 3 : i32
      %add3A_217 = arith.addi %add3A_179, %add3A_216 : i32
      %lt3A_218 = arith.constant 78 : i32
      %lt3A_219 = arith.cmpi slt, %add3A_217, %lt3A_218 : i32
      %convert_element_type3A_220 = arith.extui %lt3A_219 : i1 to i32
      %cond3A_221 = arith.constant 0 : i32
      %cond3A_222 = arith.cmpi ne, %convert_element_type3A_220, %cond3A_221 : i32
      scf.if %cond3A_222 {
        %mul3A_268 = arith.constant 128 : i32
        %mul3A_269 = arith.muli %add3A_217, %mul3A_268 : i32
        %add3A_270 = arith.addi %mul3A_2, %mul3A_269 : i32
        %multiple_of3A_271 = tpu.assume_multiple %add3A_270, 8 : i32
        %add3A_272 = arith.constant 320000 : i32
        %add3A_273 = arith.addi %multiple_of3A_271, %add3A_272 : i32
        %dma_start3A_274 = arith.constant 1 : i32
        %dma_start3A_275 = arith.constant 1 : i32
        %dma_start3A_276 = arith.constant 0 : i32
        %dma_start3A_277 = tpu.memref_slice %arg6[%dma_start3A_274, %dma_start3A_276] : memref<3x128xi32, #tpu.memory_space<vmem>> -> memref<1x128xi32, #tpu.memory_space<vmem>>
        %dma_start3A_278 = tpu.memref_squeeze %dma_start3A_277 : memref<1x128xi32, #tpu.memory_space<vmem>> -> memref<128xi32, #tpu.memory_space<vmem>>
        %dma_start3A_279 = tpu.memref_slice %arg2[%add3A_273] : memref<640000xi32, #tpu.memory_space<hbm>> -> memref<128xi32, #tpu.memory_space<hbm>>
        %dma_start3A_280 = tpu.memref_slice %arg10[%dma_start3A_275] : memref<3x!tpu.dma_semaphore, #tpu.memory_space<semaphore_mem>> -> memref<1x!tpu.dma_semaphore, #tpu.memory_space<semaphore_mem>>
        %dma_start3A_281 = tpu.memref_squeeze %dma_start3A_280 : memref<1x!tpu.dma_semaphore, #tpu.memory_space<semaphore_mem>> -> memref<!tpu.dma_semaphore, #tpu.memory_space<semaphore_mem>>
        %dma_start3A_282 = arith.constant 0 : i32
        %dma_start3A_283 = tpu.memref_slice %arg6[%dma_start3A_274, %dma_start3A_282] : memref<3x128xi32, #tpu.memory_space<vmem>> -> memref<1x128xi32, #tpu.memory_space<vmem>>
        %dma_start3A_284 = tpu.memref_squeeze %dma_start3A_283 : memref<1x128xi32, #tpu.memory_space<vmem>> -> memref<128xi32, #tpu.memory_space<vmem>>
        %dma_start3A_285 = tpu.memref_slice %arg2[%add3A_273] : memref<640000xi32, #tpu.memory_space<hbm>> -> memref<128xi32, #tpu.memory_space<hbm>>
        tpu.enqueue_dma source(%dma_start3A_285 : memref<128xi32, #tpu.memory_space<hbm>>) target(%dma_start3A_284 : memref<128xi32, #tpu.memory_space<vmem>>) target_semaphore(%dma_start3A_281 : memref<!tpu.dma_semaphore, #tpu.memory_space<semaphore_mem>>)
        %dma_start3A_286 = arith.constant 1 : i32
        %dma_start3A_287 = arith.constant 1 : i32
        %dma_start3A_288 = arith.constant 0 : i32
        %dma_start3A_289 = arith.constant 0 : i32
        %dma_start3A_290 = tpu.memref_slice %arg8[%dma_start3A_286, %dma_start3A_288, %dma_start3A_289] : memref<3x128x128xf32, #tpu.memory_space<vmem>> -> memref<1x128x128xf32, #tpu.memory_space<vmem>>
        %dma_start3A_291 = tpu.memref_squeeze %dma_start3A_290 : memref<1x128x128xf32, #tpu.memory_space<vmem>> -> memref<128x128xf32, #tpu.memory_space<vmem>>
        %dma_start3A_292 = arith.constant 0 : i32
        %dma_start3A_293 = tpu.memref_slice %arg3[%multiple_of3A_271, %dma_start3A_292] : memref<320000x128xf32, #tpu.memory_space<hbm>> -> memref<128x128xf32, #tpu.memory_space<hbm>>
        %dma_start3A_294 = tpu.memref_slice %arg10[%dma_start3A_287] : memref<3x!tpu.dma_semaphore, #tpu.memory_space<semaphore_mem>> -> memref<1x!tpu.dma_semaphore, #tpu.memory_space<semaphore_mem>>
        %dma_start3A_295 = tpu.memref_squeeze %dma_start3A_294 : memref<1x!tpu.dma_semaphore, #tpu.memory_space<semaphore_mem>> -> memref<!tpu.dma_semaphore, #tpu.memory_space<semaphore_mem>>
        %dma_start3A_296 = arith.constant 0 : i32
        %dma_start3A_297 = arith.constant 0 : i32
        %dma_start3A_298 = tpu.memref_slice %arg8[%dma_start3A_286, %dma_start3A_296, %dma_start3A_297] : memref<3x128x128xf32, #tpu.memory_space<vmem>> -> memref<1x128x128xf32, #tpu.memory_space<vmem>>
        %dma_start3A_299 = tpu.memref_squeeze %dma_start3A_298 : memref<1x128x128xf32, #tpu.memory_space<vmem>> -> memref<128x128xf32, #tpu.memory_space<vmem>>
        %dma_start3A_300 = arith.constant 0 : i32
        %dma_start3A_301 = tpu.memref_slice %arg3[%multiple_of3A_271, %dma_start3A_300] : memref<320000x128xf32, #tpu.memory_space<hbm>> -> memref<128x128xf32, #tpu.memory_space<hbm>>
        tpu.enqueue_dma source(%dma_start3A_301 : memref<128x128xf32, #tpu.memory_space<hbm>>) target(%dma_start3A_299 : memref<128x128xf32, #tpu.memory_space<vmem>>) target_semaphore(%dma_start3A_295 : memref<!tpu.dma_semaphore, #tpu.memory_space<semaphore_mem>>)
      } else {
      }
      %add3A_223 = arith.constant 2 : i32
      %add3A_224 = arith.addi %mul3A_133, %add3A_223 : i32
      %mul3A_225 = arith.constant 128 : i32
      %mul3A_226 = arith.muli %add3A_224, %mul3A_225 : i32
      %add3A_227 = arith.addi %mul3A_2, %mul3A_226 : i32
      %multiple_of3A_228 = tpu.assume_multiple %add3A_227, 8 : i32
      %add3A_229 = arith.constant 320000 : i32
      %add3A_230 = arith.addi %multiple_of3A_228, %add3A_229 : i32
      %dma_wait3A_231 = arith.constant 2 : i32
      %dma_wait3A_232 = arith.constant 2 : i32
      %dma_wait3A_233 = arith.constant 0 : i32
      %dma_wait3A_234 = tpu.memref_slice %arg6[%dma_wait3A_231, %dma_wait3A_233] : memref<3x128xi32, #tpu.memory_space<vmem>> -> memref<1x128xi32, #tpu.memory_space<vmem>>
      %dma_wait3A_235 = tpu.memref_squeeze %dma_wait3A_234 : memref<1x128xi32, #tpu.memory_space<vmem>> -> memref<128xi32, #tpu.memory_space<vmem>>
      %dma_wait3A_236 = tpu.memref_slice %arg2[%add3A_230] : memref<640000xi32, #tpu.memory_space<hbm>> -> memref<128xi32, #tpu.memory_space<hbm>>
      %dma_wait3A_237 = tpu.memref_slice %arg10[%dma_wait3A_232] : memref<3x!tpu.dma_semaphore, #tpu.memory_space<semaphore_mem>> -> memref<1x!tpu.dma_semaphore, #tpu.memory_space<semaphore_mem>>
      %dma_wait3A_238 = tpu.memref_squeeze %dma_wait3A_237 : memref<1x!tpu.dma_semaphore, #tpu.memory_space<semaphore_mem>> -> memref<!tpu.dma_semaphore, #tpu.memory_space<semaphore_mem>>
      %dma_wait3A_239 = arith.constant 0 : i32
      %dma_wait3A_240 = tpu.memref_slice %arg6[%dma_wait3A_231, %dma_wait3A_239] : memref<3x128xi32, #tpu.memory_space<vmem>> -> memref<1x128xi32, #tpu.memory_space<vmem>>
      %dma_wait3A_241 = tpu.memref_squeeze %dma_wait3A_240 : memref<1x128xi32, #tpu.memory_space<vmem>> -> memref<128xi32, #tpu.memory_space<vmem>>
      %dma_wait3A_242 = tpu.memref_slice %arg2[%add3A_230] : memref<640000xi32, #tpu.memory_space<hbm>> -> memref<128xi32, #tpu.memory_space<hbm>>
      tpu.wait_dma2 semaphore(%dma_wait3A_238 : memref<!tpu.dma_semaphore, #tpu.memory_space<semaphore_mem>>) src(%dma_wait3A_242 : memref<128xi32, #tpu.memory_space<hbm>>) dst(%dma_wait3A_241 : memref<128xi32, #tpu.memory_space<vmem>>)
      %dma_wait3A_243 = arith.constant 2 : i32
      %dma_wait3A_244 = arith.constant 2 : i32
      %dma_wait3A_245 = arith.constant 0 : i32
      %dma_wait3A_246 = arith.constant 0 : i32
      %dma_wait3A_247 = tpu.memref_slice %arg8[%dma_wait3A_243, %dma_wait3A_245, %dma_wait3A_246] : memref<3x128x128xf32, #tpu.memory_space<vmem>> -> memref<1x128x128xf32, #tpu.memory_space<vmem>>
      %dma_wait3A_248 = tpu.memref_squeeze %dma_wait3A_247 : memref<1x128x128xf32, #tpu.memory_space<vmem>> -> memref<128x128xf32, #tpu.memory_space<vmem>>
      %dma_wait3A_249 = arith.constant 0 : i32
      %dma_wait3A_250 = tpu.memref_slice %arg3[%multiple_of3A_228, %dma_wait3A_249] : memref<320000x128xf32, #tpu.memory_space<hbm>> -> memref<128x128xf32, #tpu.memory_space<hbm>>
      %dma_wait3A_251 = tpu.memref_slice %arg10[%dma_wait3A_244] : memref<3x!tpu.dma_semaphore, #tpu.memory_space<semaphore_mem>> -> memref<1x!tpu.dma_semaphore, #tpu.memory_space<semaphore_mem>>
      %dma_wait3A_252 = tpu.memref_squeeze %dma_wait3A_251 : memref<1x!tpu.dma_semaphore, #tpu.memory_space<semaphore_mem>> -> memref<!tpu.dma_semaphore, #tpu.memory_space<semaphore_mem>>
      %dma_wait3A_253 = arith.constant 0 : i32
      %dma_wait3A_254 = arith.constant 0 : i32
      %dma_wait3A_255 = tpu.memref_slice %arg8[%dma_wait3A_243, %dma_wait3A_253, %dma_wait3A_254] : memref<3x128x128xf32, #tpu.memory_space<vmem>> -> memref<1x128x128xf32, #tpu.memory_space<vmem>>
      %dma_wait3A_256 = tpu.memref_squeeze %dma_wait3A_255 : memref<1x128x128xf32, #tpu.memory_space<vmem>> -> memref<128x128xf32, #tpu.memory_space<vmem>>
      %dma_wait3A_257 = arith.constant 0 : i32
      %dma_wait3A_258 = tpu.memref_slice %arg3[%multiple_of3A_228, %dma_wait3A_257] : memref<320000x128xf32, #tpu.memory_space<hbm>> -> memref<128x128xf32, #tpu.memory_space<hbm>>
      tpu.wait_dma2 semaphore(%dma_wait3A_252 : memref<!tpu.dma_semaphore, #tpu.memory_space<semaphore_mem>>) src(%dma_wait3A_258 : memref<128x128xf32, #tpu.memory_space<hbm>>) dst(%dma_wait3A_256 : memref<128x128xf32, #tpu.memory_space<vmem>>)
      %run_scoped3A_259 = arith.constant 2 : i32
      %run_scoped3A_260 = arith.constant 2 : i32
      "tpu.region"() ({
        %run_scoped3A_268 = tpu.sem_alloc : memref<!tpu.dma_semaphore, #tpu.memory_space<semaphore_mem>>
        %dma_start3A_269 = arith.constant 0 : i32
        %dma_start3A_270 = arith.constant 0 : i32
        %dma_start3A_271 = tpu.memref_slice %arg8[%run_scoped3A_259, %dma_start3A_269, %dma_start3A_270] : memref<3x128x128xf32, #tpu.memory_space<vmem>> -> memref<1x128x128xf32, #tpu.memory_space<vmem>>
        %dma_start3A_272 = tpu.memref_squeeze %dma_start3A_271 : memref<1x128x128xf32, #tpu.memory_space<vmem>> -> memref<128x128xf32, #tpu.memory_space<vmem>>
        %dma_start3A_273 = arith.constant 0 : i32
        %dma_start3A_274 = tpu.memref_slice %arg6[%run_scoped3A_260, %dma_start3A_273] : memref<3x128xi32, #tpu.memory_space<vmem>> -> memref<1x128xi32, #tpu.memory_space<vmem>>
        %dma_start3A_275 = tpu.memref_squeeze %dma_start3A_274 : memref<1x128xi32, #tpu.memory_space<vmem>> -> memref<128xi32, #tpu.memory_space<vmem>>
        %dma_start3A_276 = arith.constant 0 : i32
        %dma_start3A_277 = arith.constant 0 : i32
        %dma_start3A_278 = tpu.memref_slice %arg9[%dma_start3A_276, %dma_start3A_277] : memref<10000x128xf32, #tpu.memory_space<vmem_shared>> -> memref<10000x128xf32, #tpu.memory_space<vmem_shared>>
        tpu.enqueue_indirect_dma source(%dma_start3A_272 : memref<128x128xf32, #tpu.memory_space<vmem>>) target(%dma_start3A_278 : memref<10000x128xf32, #tpu.memory_space<vmem_shared>>) offsets(%dma_start3A_275 : memref<128xi32, #tpu.memory_space<vmem>>) semaphore(%run_scoped3A_268 : memref<!tpu.dma_semaphore, #tpu.memory_space<semaphore_mem>>) {add = true}
        %dma_wait3A_279 = arith.constant 0 : i32
        %dma_wait3A_280 = arith.constant 0 : i32
        %dma_wait3A_281 = tpu.memref_slice %arg8[%run_scoped3A_259, %dma_wait3A_279, %dma_wait3A_280] : memref<3x128x128xf32, #tpu.memory_space<vmem>> -> memref<1x128x128xf32, #tpu.memory_space<vmem>>
        %dma_wait3A_282 = tpu.memref_squeeze %dma_wait3A_281 : memref<1x128x128xf32, #tpu.memory_space<vmem>> -> memref<128x128xf32, #tpu.memory_space<vmem>>
        %dma_wait3A_283 = arith.constant 0 : i32
        %dma_wait3A_284 = tpu.memref_slice %arg6[%run_scoped3A_260, %dma_wait3A_283] : memref<3x128xi32, #tpu.memory_space<vmem>> -> memref<1x128xi32, #tpu.memory_space<vmem>>
        %dma_wait3A_285 = tpu.memref_squeeze %dma_wait3A_284 : memref<1x128xi32, #tpu.memory_space<vmem>> -> memref<128xi32, #tpu.memory_space<vmem>>
        %dma_wait3A_286 = arith.constant 0 : i32
        %dma_wait3A_287 = arith.constant 0 : i32
        %dma_wait3A_288 = tpu.memref_slice %arg9[%dma_wait3A_286, %dma_wait3A_287] : memref<10000x128xf32, #tpu.memory_space<vmem_shared>> -> memref<10000x128xf32, #tpu.memory_space<vmem_shared>>
        tpu.wait_indirect_dma semaphore(%run_scoped3A_268 : memref<!tpu.dma_semaphore, #tpu.memory_space<semaphore_mem>>) src(%dma_wait3A_282 : memref<128x128xf32, #tpu.memory_space<vmem>>) dst(%dma_wait3A_288 : memref<10000x128xf32, #tpu.memory_space<vmem_shared>>)
        tpu.yield
      }) : () -> ()
      %add3A_261 = arith.constant 3 : i32
      %add3A_262 = arith.addi %add3A_224, %add3A_261 : i32
      %lt3A_263 = arith.constant 78 : i32
      %lt3A_264 = arith.cmpi slt, %add3A_262, %lt3A_263 : i32
      %convert_element_type3A_265 = arith.extui %lt3A_264 : i1 to i32
      %cond3A_266 = arith.constant 0 : i32
      %cond3A_267 = arith.cmpi ne, %convert_element_type3A_265, %cond3A_266 : i32
      scf.if %cond3A_267 {
        %mul3A_268 = arith.constant 128 : i32
        %mul3A_269 = arith.muli %add3A_262, %mul3A_268 : i32
        %add3A_270 = arith.addi %mul3A_2, %mul3A_269 : i32
        %multiple_of3A_271 = tpu.assume_multiple %add3A_270, 8 : i32
        %add3A_272 = arith.constant 320000 : i32
        %add3A_273 = arith.addi %multiple_of3A_271, %add3A_272 : i32
        %dma_start3A_274 = arith.constant 2 : i32
        %dma_start3A_275 = arith.constant 2 : i32
        %dma_start3A_276 = arith.constant 0 : i32
        %dma_start3A_277 = tpu.memref_slice %arg6[%dma_start3A_274, %dma_start3A_276] : memref<3x128xi32, #tpu.memory_space<vmem>> -> memref<1x128xi32, #tpu.memory_space<vmem>>
        %dma_start3A_278 = tpu.memref_squeeze %dma_start3A_277 : memref<1x128xi32, #tpu.memory_space<vmem>> -> memref<128xi32, #tpu.memory_space<vmem>>
        %dma_start3A_279 = tpu.memref_slice %arg2[%add3A_273] : memref<640000xi32, #tpu.memory_space<hbm>> -> memref<128xi32, #tpu.memory_space<hbm>>
        %dma_start3A_280 = tpu.memref_slice %arg10[%dma_start3A_275] : memref<3x!tpu.dma_semaphore, #tpu.memory_space<semaphore_mem>> -> memref<1x!tpu.dma_semaphore, #tpu.memory_space<semaphore_mem>>
        %dma_start3A_281 = tpu.memref_squeeze %dma_start3A_280 : memref<1x!tpu.dma_semaphore, #tpu.memory_space<semaphore_mem>> -> memref<!tpu.dma_semaphore, #tpu.memory_space<semaphore_mem>>
        %dma_start3A_282 = arith.constant 0 : i32
        %dma_start3A_283 = tpu.memref_slice %arg6[%dma_start3A_274, %dma_start3A_282] : memref<3x128xi32, #tpu.memory_space<vmem>> -> memref<1x128xi32, #tpu.memory_space<vmem>>
        %dma_start3A_284 = tpu.memref_squeeze %dma_start3A_283 : memref<1x128xi32, #tpu.memory_space<vmem>> -> memref<128xi32, #tpu.memory_space<vmem>>
        %dma_start3A_285 = tpu.memref_slice %arg2[%add3A_273] : memref<640000xi32, #tpu.memory_space<hbm>> -> memref<128xi32, #tpu.memory_space<hbm>>
        tpu.enqueue_dma source(%dma_start3A_285 : memref<128xi32, #tpu.memory_space<hbm>>) target(%dma_start3A_284 : memref<128xi32, #tpu.memory_space<vmem>>) target_semaphore(%dma_start3A_281 : memref<!tpu.dma_semaphore, #tpu.memory_space<semaphore_mem>>)
        %dma_start3A_286 = arith.constant 2 : i32
        %dma_start3A_287 = arith.constant 2 : i32
        %dma_start3A_288 = arith.constant 0 : i32
        %dma_start3A_289 = arith.constant 0 : i32
        %dma_start3A_290 = tpu.memref_slice %arg8[%dma_start3A_286, %dma_start3A_288, %dma_start3A_289] : memref<3x128x128xf32, #tpu.memory_space<vmem>> -> memref<1x128x128xf32, #tpu.memory_space<vmem>>
        %dma_start3A_291 = tpu.memref_squeeze %dma_start3A_290 : memref<1x128x128xf32, #tpu.memory_space<vmem>> -> memref<128x128xf32, #tpu.memory_space<vmem>>
        %dma_start3A_292 = arith.constant 0 : i32
        %dma_start3A_293 = tpu.memref_slice %arg3[%multiple_of3A_271, %dma_start3A_292] : memref<320000x128xf32, #tpu.memory_space<hbm>> -> memref<128x128xf32, #tpu.memory_space<hbm>>
        %dma_start3A_294 = tpu.memref_slice %arg10[%dma_start3A_287] : memref<3x!tpu.dma_semaphore, #tpu.memory_space<semaphore_mem>> -> memref<1x!tpu.dma_semaphore, #tpu.memory_space<semaphore_mem>>
        %dma_start3A_295 = tpu.memref_squeeze %dma_start3A_294 : memref<1x!tpu.dma_semaphore, #tpu.memory_space<semaphore_mem>> -> memref<!tpu.dma_semaphore, #tpu.memory_space<semaphore_mem>>
        %dma_start3A_296 = arith.constant 0 : i32
        %dma_start3A_297 = arith.constant 0 : i32
        %dma_start3A_298 = tpu.memref_slice %arg8[%dma_start3A_286, %dma_start3A_296, %dma_start3A_297] : memref<3x128x128xf32, #tpu.memory_space<vmem>> -> memref<1x128x128xf32, #tpu.memory_space<vmem>>
        %dma_start3A_299 = tpu.memref_squeeze %dma_start3A_298 : memref<1x128x128xf32, #tpu.memory_space<vmem>> -> memref<128x128xf32, #tpu.memory_space<vmem>>
        %dma_start3A_300 = arith.constant 0 : i32
        %dma_start3A_301 = tpu.memref_slice %arg3[%multiple_of3A_271, %dma_start3A_300] : memref<320000x128xf32, #tpu.memory_space<hbm>> -> memref<128x128xf32, #tpu.memory_space<hbm>>
        tpu.enqueue_dma source(%dma_start3A_301 : memref<128x128xf32, #tpu.memory_space<hbm>>) target(%dma_start3A_299 : memref<128x128xf32, #tpu.memory_space<vmem>>) target_semaphore(%dma_start3A_295 : memref<!tpu.dma_semaphore, #tpu.memory_space<semaphore_mem>>)
      } else {
      }
    }
    %scan3A_116 = arith.constant 26 : i32
    %add3A_117 = arith.constant 9984 : i32
    %add3A_118 = arith.addi %mul3A_2, %add3A_117 : i32
    %multiple_of3A_119 = tpu.assume_multiple %add3A_118, 8 : i32
    %add3A_120 = arith.constant 320000 : i32
    %add3A_121 = arith.addi %multiple_of3A_119, %add3A_120 : i32
    %run_scoped3A = arith.constant 0 : i32
    "tpu.region"() ({
      %run_scoped3A_131 = tpu.sem_alloc : memref<!tpu.dma_semaphore, #tpu.memory_space<semaphore_mem>>
      %dma_start3A_132 = arith.constant 0 : i32
      %dma_start3A_133 = tpu.memref_slice %arg7[%run_scoped3A, %dma_start3A_132] : memref<1x16xi32, #tpu.memory_space<vmem>> -> memref<1x16xi32, #tpu.memory_space<vmem>>
      %dma_start3A_134 = tpu.memref_squeeze %dma_start3A_133 : memref<1x16xi32, #tpu.memory_space<vmem>> -> memref<16xi32, #tpu.memory_space<vmem>>
      %dma_start3A_135 = tpu.memref_slice %arg2[%add3A_121] : memref<640000xi32, #tpu.memory_space<hbm>> -> memref<16xi32, #tpu.memory_space<hbm>>
      %dma_start3A_136 = arith.constant 0 : i32
      %dma_start3A_137 = tpu.memref_slice %arg7[%run_scoped3A, %dma_start3A_136] : memref<1x16xi32, #tpu.memory_space<vmem>> -> memref<1x16xi32, #tpu.memory_space<vmem>>
      %dma_start3A_138 = tpu.memref_squeeze %dma_start3A_137 : memref<1x16xi32, #tpu.memory_space<vmem>> -> memref<16xi32, #tpu.memory_space<vmem>>
      %dma_start3A_139 = tpu.memref_slice %arg2[%add3A_121] : memref<640000xi32, #tpu.memory_space<hbm>> -> memref<16xi32, #tpu.memory_space<hbm>>
      tpu.enqueue_dma source(%dma_start3A_139 : memref<16xi32, #tpu.memory_space<hbm>>) target(%dma_start3A_138 : memref<16xi32, #tpu.memory_space<vmem>>) target_semaphore(%run_scoped3A_131 : memref<!tpu.dma_semaphore, #tpu.memory_space<semaphore_mem>>)
      %dma_wait3A_140 = arith.constant 0 : i32
      %dma_wait3A_141 = tpu.memref_slice %arg7[%run_scoped3A, %dma_wait3A_140] : memref<1x16xi32, #tpu.memory_space<vmem>> -> memref<1x16xi32, #tpu.memory_space<vmem>>
      %dma_wait3A_142 = tpu.memref_squeeze %dma_wait3A_141 : memref<1x16xi32, #tpu.memory_space<vmem>> -> memref<16xi32, #tpu.memory_space<vmem>>
      %dma_wait3A_143 = tpu.memref_slice %arg2[%add3A_121] : memref<640000xi32, #tpu.memory_space<hbm>> -> memref<16xi32, #tpu.memory_space<hbm>>
      %dma_wait3A_144 = arith.constant 0 : i32
      %dma_wait3A_145 = tpu.memref_slice %arg7[%run_scoped3A, %dma_wait3A_144] : memref<1x16xi32, #tpu.memory_space<vmem>> -> memref<1x16xi32, #tpu.memory_space<vmem>>
      %dma_wait3A_146 = tpu.memref_squeeze %dma_wait3A_145 : memref<1x16xi32, #tpu.memory_space<vmem>> -> memref<16xi32, #tpu.memory_space<vmem>>
      %dma_wait3A_147 = tpu.memref_slice %arg2[%add3A_121] : memref<640000xi32, #tpu.memory_space<hbm>> -> memref<16xi32, #tpu.memory_space<hbm>>
      tpu.wait_dma2 semaphore(%run_scoped3A_131 : memref<!tpu.dma_semaphore, #tpu.memory_space<semaphore_mem>>) src(%dma_wait3A_147 : memref<16xi32, #tpu.memory_space<hbm>>) dst(%dma_wait3A_146 : memref<16xi32, #tpu.memory_space<vmem>>)
      tpu.yield
    }) : () -> ()
    %run_scoped3A_122 = arith.constant 0 : i32
    "tpu.region"() ({
      %run_scoped3A_131 = tpu.sem_alloc : memref<!tpu.dma_semaphore, #tpu.memory_space<semaphore_mem>>
      %dma_start3A_132 = arith.constant 0 : i32
      %dma_start3A_133 = arith.constant 0 : i32
      %dma_start3A_134 = tpu.memref_slice %arg8[%run_scoped3A_122, %dma_start3A_132, %dma_start3A_133] : memref<3x128x128xf32, #tpu.memory_space<vmem>> -> memref<1x16x128xf32, #tpu.memory_space<vmem>>
      %dma_start3A_135 = tpu.memref_squeeze %dma_start3A_134 : memref<1x16x128xf32, #tpu.memory_space<vmem>> -> memref<16x128xf32, #tpu.memory_space<vmem>>
      %dma_start3A_136 = arith.constant 0 : i32
      %dma_start3A_137 = tpu.memref_slice %arg3[%multiple_of3A_119, %dma_start3A_136] : memref<320000x128xf32, #tpu.memory_space<hbm>> -> memref<16x128xf32, #tpu.memory_space<hbm>>
      %dma_start3A_138 = arith.constant 0 : i32
      %dma_start3A_139 = arith.constant 0 : i32
      %dma_start3A_140 = tpu.memref_slice %arg8[%run_scoped3A_122, %dma_start3A_138, %dma_start3A_139] : memref<3x128x128xf32, #tpu.memory_space<vmem>> -> memref<1x16x128xf32, #tpu.memory_space<vmem>>
      %dma_start3A_141 = tpu.memref_squeeze %dma_start3A_140 : memref<1x16x128xf32, #tpu.memory_space<vmem>> -> memref<16x128xf32, #tpu.memory_space<vmem>>
      %dma_start3A_142 = arith.constant 0 : i32
      %dma_start3A_143 = tpu.memref_slice %arg3[%multiple_of3A_119, %dma_start3A_142] : memref<320000x128xf32, #tpu.memory_space<hbm>> -> memref<16x128xf32, #tpu.memory_space<hbm>>
      tpu.enqueue_dma source(%dma_start3A_143 : memref<16x128xf32, #tpu.memory_space<hbm>>) target(%dma_start3A_141 : memref<16x128xf32, #tpu.memory_space<vmem>>) target_semaphore(%run_scoped3A_131 : memref<!tpu.dma_semaphore, #tpu.memory_space<semaphore_mem>>)
      %dma_wait3A_144 = arith.constant 0 : i32
      %dma_wait3A_145 = arith.constant 0 : i32
      %dma_wait3A_146 = tpu.memref_slice %arg8[%run_scoped3A_122, %dma_wait3A_144, %dma_wait3A_145] : memref<3x128x128xf32, #tpu.memory_space<vmem>> -> memref<1x16x128xf32, #tpu.memory_space<vmem>>
      %dma_wait3A_147 = tpu.memref_squeeze %dma_wait3A_146 : memref<1x16x128xf32, #tpu.memory_space<vmem>> -> memref<16x128xf32, #tpu.memory_space<vmem>>
      %dma_wait3A_148 = arith.constant 0 : i32
      %dma_wait3A_149 = tpu.memref_slice %arg3[%multiple_of3A_119, %dma_wait3A_148] : memref<320000x128xf32, #tpu.memory_space<hbm>> -> memref<16x128xf32, #tpu.memory_space<hbm>>
      %dma_wait3A_150 = arith.constant 0 : i32
      %dma_wait3A_151 = arith.constant 0 : i32
      %dma_wait3A_152 = tpu.memref_slice %arg8[%run_scoped3A_122, %dma_wait3A_150, %dma_wait3A_151] : memref<3x128x128xf32, #tpu.memory_space<vmem>> -> memref<1x16x128xf32, #tpu.memory_space<vmem>>
      %dma_wait3A_153 = tpu.memref_squeeze %dma_wait3A_152 : memref<1x16x128xf32, #tpu.memory_space<vmem>> -> memref<16x128xf32, #tpu.memory_space<vmem>>
      %dma_wait3A_154 = arith.constant 0 : i32
      %dma_wait3A_155 = tpu.memref_slice %arg3[%multiple_of3A_119, %dma_wait3A_154] : memref<320000x128xf32, #tpu.memory_space<hbm>> -> memref<16x128xf32, #tpu.memory_space<hbm>>
      tpu.wait_dma2 semaphore(%run_scoped3A_131 : memref<!tpu.dma_semaphore, #tpu.memory_space<semaphore_mem>>) src(%dma_wait3A_155 : memref<16x128xf32, #tpu.memory_space<hbm>>) dst(%dma_wait3A_153 : memref<16x128xf32, #tpu.memory_space<vmem>>)
      tpu.yield
    }) : () -> ()
    %run_scoped3A_123 = arith.constant 0 : i32
    %run_scoped3A_124 = arith.constant 0 : i32
    "tpu.region"() ({
      %run_scoped3A_131 = tpu.sem_alloc : memref<!tpu.dma_semaphore, #tpu.memory_space<semaphore_mem>>
      %dma_start3A_132 = arith.constant 0 : i32
      %dma_start3A_133 = arith.constant 0 : i32
      %dma_start3A_134 = tpu.memref_slice %arg8[%run_scoped3A_123, %dma_start3A_132, %dma_start3A_133] : memref<3x128x128xf32, #tpu.memory_space<vmem>> -> memref<1x16x128xf32, #tpu.memory_space<vmem>>
      %dma_start3A_135 = tpu.memref_squeeze %dma_start3A_134 : memref<1x16x128xf32, #tpu.memory_space<vmem>> -> memref<16x128xf32, #tpu.memory_space<vmem>>
      %dma_start3A_136 = arith.constant 0 : i32
      %dma_start3A_137 = tpu.memref_slice %arg7[%run_scoped3A_124, %dma_start3A_136] : memref<1x16xi32, #tpu.memory_space<vmem>> -> memref<1x16xi32, #tpu.memory_space<vmem>>
      %dma_start3A_138 = tpu.memref_squeeze %dma_start3A_137 : memref<1x16xi32, #tpu.memory_space<vmem>> -> memref<16xi32, #tpu.memory_space<vmem>>
      %dma_start3A_139 = arith.constant 0 : i32
      %dma_start3A_140 = arith.constant 0 : i32
      %dma_start3A_141 = tpu.memref_slice %arg9[%dma_start3A_139, %dma_start3A_140] : memref<10000x128xf32, #tpu.memory_space<vmem_shared>> -> memref<10000x128xf32, #tpu.memory_space<vmem_shared>>
      tpu.enqueue_indirect_dma source(%dma_start3A_135 : memref<16x128xf32, #tpu.memory_space<vmem>>) target(%dma_start3A_141 : memref<10000x128xf32, #tpu.memory_space<vmem_shared>>) offsets(%dma_start3A_138 : memref<16xi32, #tpu.memory_space<vmem>>) semaphore(%run_scoped3A_131 : memref<!tpu.dma_semaphore, #tpu.memory_space<semaphore_mem>>) {add = true}
      %dma_wait3A_142 = arith.constant 0 : i32
      %dma_wait3A_143 = arith.constant 0 : i32
      %dma_wait3A_144 = tpu.memref_slice %arg8[%run_scoped3A_123, %dma_wait3A_142, %dma_wait3A_143] : memref<3x128x128xf32, #tpu.memory_space<vmem>> -> memref<1x16x128xf32, #tpu.memory_space<vmem>>
      %dma_wait3A_145 = tpu.memref_squeeze %dma_wait3A_144 : memref<1x16x128xf32, #tpu.memory_space<vmem>> -> memref<16x128xf32, #tpu.memory_space<vmem>>
      %dma_wait3A_146 = arith.constant 0 : i32
      %dma_wait3A_147 = tpu.memref_slice %arg7[%run_scoped3A_124, %dma_wait3A_146] : memref<1x16xi32, #tpu.memory_space<vmem>> -> memref<1x16xi32, #tpu.memory_space<vmem>>
      %dma_wait3A_148 = tpu.memref_squeeze %dma_wait3A_147 : memref<1x16xi32, #tpu.memory_space<vmem>> -> memref<16xi32, #tpu.memory_space<vmem>>
      %dma_wait3A_149 = arith.constant 0 : i32
      %dma_wait3A_150 = arith.constant 0 : i32
      %dma_wait3A_151 = tpu.memref_slice %arg9[%dma_wait3A_149, %dma_wait3A_150] : memref<10000x128xf32, #tpu.memory_space<vmem_shared>> -> memref<10000x128xf32, #tpu.memory_space<vmem_shared>>
      tpu.wait_indirect_dma semaphore(%run_scoped3A_131 : memref<!tpu.dma_semaphore, #tpu.memory_space<semaphore_mem>>) src(%dma_wait3A_145 : memref<16x128xf32, #tpu.memory_space<vmem>>) dst(%dma_wait3A_151 : memref<10000x128xf32, #tpu.memory_space<vmem_shared>>)
      tpu.yield
    }) : () -> ()
    %barrier3A_125 = arith.constant 0 : index
    tpu.barrier barrier_id(%barrier3A_125)
    "tpu.region"() ({
      %run_scoped3A_131 = tpu.sem_alloc : memref<!tpu.dma_semaphore, #tpu.memory_space<semaphore_mem>>
      %dma_start3A_132 = arith.constant 0 : i32
      %dma_start3A_133 = tpu.memref_slice %arg5[%arg0, %multiple_of3A, %dma_start3A_132] : memref<2x10000x128xf32, #tpu.memory_space<hbm>> -> memref<1x624x128xf32, #tpu.memory_space<hbm>>
      %dma_start3A_134 = tpu.memref_squeeze %dma_start3A_133 : memref<1x624x128xf32, #tpu.memory_space<hbm>> -> memref<624x128xf32, #tpu.memory_space<hbm>>
      %dma_start3A_135 = arith.constant 0 : i32
      %dma_start3A_136 = tpu.memref_slice %arg9[%multiple_of3A, %dma_start3A_135] : memref<10000x128xf32, #tpu.memory_space<vmem_shared>> -> memref<624x128xf32, #tpu.memory_space<vmem_shared>>
      tpu.enqueue_dma source(%dma_start3A_136 : memref<624x128xf32, #tpu.memory_space<vmem_shared>>) target(%dma_start3A_134 : memref<624x128xf32, #tpu.memory_space<hbm>>) target_semaphore(%run_scoped3A_131 : memref<!tpu.dma_semaphore, #tpu.memory_space<semaphore_mem>>)
      %dma_wait3A_137 = arith.constant 0 : i32
      %dma_wait3A_138 = tpu.memref_slice %arg5[%arg0, %multiple_of3A, %dma_wait3A_137] : memref<2x10000x128xf32, #tpu.memory_space<hbm>> -> memref<1x624x128xf32, #tpu.memory_space<hbm>>
      %dma_wait3A_139 = tpu.memref_squeeze %dma_wait3A_138 : memref<1x624x128xf32, #tpu.memory_space<hbm>> -> memref<624x128xf32, #tpu.memory_space<hbm>>
      %dma_wait3A_140 = arith.constant 0 : i32
      %dma_wait3A_141 = tpu.memref_slice %arg9[%multiple_of3A, %dma_wait3A_140] : memref<10000x128xf32, #tpu.memory_space<vmem_shared>> -> memref<624x128xf32, #tpu.memory_space<vmem_shared>>
      tpu.wait_dma2 semaphore(%run_scoped3A_131 : memref<!tpu.dma_semaphore, #tpu.memory_space<semaphore_mem>>) src(%dma_wait3A_141 : memref<624x128xf32, #tpu.memory_space<vmem_shared>>) dst(%dma_wait3A_139 : memref<624x128xf32, #tpu.memory_space<hbm>>)
      tpu.yield
    }) : () -> ()
    %eq3A_126 = arith.constant 15 : i32
    %eq3A_127 = arith.cmpi eq, %arg1, %eq3A_126 : i32
    %convert_element_type3A_128 = arith.extui %eq3A_127 : i1 to i32
    %cond3A_129 = arith.constant 0 : i32
    %cond3A_130 = arith.cmpi ne, %convert_element_type3A_128, %cond3A_129 : i32
    scf.if %cond3A_130 {
      "tpu.region"() ({
        %run_scoped3A_131 = tpu.sem_alloc : memref<!tpu.dma_semaphore, #tpu.memory_space<semaphore_mem>>
        %dma_start3A_132 = arith.constant 9984 : i32
        %dma_start3A_133 = arith.constant 0 : i32
        %dma_start3A_134 = tpu.memref_slice %arg5[%arg0, %dma_start3A_132, %dma_start3A_133] : memref<2x10000x128xf32, #tpu.memory_space<hbm>> -> memref<1x16x128xf32, #tpu.memory_space<hbm>>
        %dma_start3A_135 = tpu.memref_squeeze %dma_start3A_134 : memref<1x16x128xf32, #tpu.memory_space<hbm>> -> memref<16x128xf32, #tpu.memory_space<hbm>>
        %dma_start3A_136 = arith.constant 9984 : i32
        %dma_start3A_137 = arith.constant 0 : i32
        %dma_start3A_138 = tpu.memref_slice %arg9[%dma_start3A_136, %dma_start3A_137] : memref<10000x128xf32, #tpu.memory_space<vmem_shared>> -> memref<16x128xf32, #tpu.memory_space<vmem_shared>>
        tpu.enqueue_dma source(%dma_start3A_138 : memref<16x128xf32, #tpu.memory_space<vmem_shared>>) target(%dma_start3A_135 : memref<16x128xf32, #tpu.memory_space<hbm>>) target_semaphore(%run_scoped3A_131 : memref<!tpu.dma_semaphore, #tpu.memory_space<semaphore_mem>>)
        %dma_wait3A_139 = arith.constant 9984 : i32
        %dma_wait3A_140 = arith.constant 0 : i32
        %dma_wait3A_141 = tpu.memref_slice %arg5[%arg0, %dma_wait3A_139, %dma_wait3A_140] : memref<2x10000x128xf32, #tpu.memory_space<hbm>> -> memref<1x16x128xf32, #tpu.memory_space<hbm>>
        %dma_wait3A_142 = tpu.memref_squeeze %dma_wait3A_141 : memref<1x16x128xf32, #tpu.memory_space<hbm>> -> memref<16x128xf32, #tpu.memory_space<hbm>>
        %dma_wait3A_143 = arith.constant 9984 : i32
        %dma_wait3A_144 = arith.constant 0 : i32
        %dma_wait3A_145 = tpu.memref_slice %arg9[%dma_wait3A_143, %dma_wait3A_144] : memref<10000x128xf32, #tpu.memory_space<vmem_shared>> -> memref<16x128xf32, #tpu.memory_space<vmem_shared>>
        tpu.wait_dma2 semaphore(%run_scoped3A_131 : memref<!tpu.dma_semaphore, #tpu.memory_space<semaphore_mem>>) src(%dma_wait3A_145 : memref<16x128xf32, #tpu.memory_space<vmem_shared>>) dst(%dma_wait3A_142 : memref<16x128xf32, #tpu.memory_space<hbm>>)
        tpu.yield
      }) : () -> ()
    } else {
    }
    return
  }
}

module attributes {stable_mosaic.version = 14 : i64} {
  func.func @_mlp_body(%arg0: i32, %arg1: memref<2000x128xf32, #tpu.memory_space<vmem>>, %arg2: memref<1x2000x128xf32, #tpu.memory_space<vmem>>, %arg3: memref<1x2000x128xf32, #tpu.memory_space<vmem>>, %arg4: memref<128x128xf32, #tpu.memory_space<vmem>>, %arg5: memref<128x128xf32, #tpu.memory_space<vmem>>, %arg6: memref<1x128xf32, #tpu.memory_space<vmem>>, %arg7: memref<128x128xf32, #tpu.memory_space<vmem>>, %arg8: memref<1x128xf32, #tpu.memory_space<vmem>>, %arg9: memref<128x128xf32, #tpu.memory_space<vmem>>, %arg10: memref<1x128xf32, #tpu.memory_space<vmem>>, %arg11: memref<1x128xf32, #tpu.memory_space<vmem>>, %arg12: memref<1x128xf32, #tpu.memory_space<vmem>>, %arg13: memref<2000x128xf32, #tpu.memory_space<vmem>>) attributes {dimension_semantics = [#tpu.dimension_semantics<arbitrary>], iteration_bounds = array<i64: 5>, scalar_prefetch = 0 : i64, scratch_operands = 0 : i64, tpu.core_type = #tpu.core_type<tc>, window_params = [{transform_indices = @transform_0, window_bounds = array<i64: 2000, 128>}, {transform_indices = @transform_1, window_bounds = array<i64: 1, 2000, 128>}, {transform_indices = @transform_2, window_bounds = array<i64: 1, 2000, 128>}, {pipeline_mode = #tpu.pipeline_mode<synchronous>, transform_indices = @transform_3, window_bounds = array<i64: 128, 128>}, {pipeline_mode = #tpu.pipeline_mode<synchronous>, transform_indices = @transform_4, window_bounds = array<i64: 128, 128>}, {pipeline_mode = #tpu.pipeline_mode<synchronous>, transform_indices = @transform_5, window_bounds = array<i64: 1, 128>}, {pipeline_mode = #tpu.pipeline_mode<synchronous>, transform_indices = @transform_6, window_bounds = array<i64: 128, 128>}, {pipeline_mode = #tpu.pipeline_mode<synchronous>, transform_indices = @transform_7, window_bounds = array<i64: 1, 128>}, {pipeline_mode = #tpu.pipeline_mode<synchronous>, transform_indices = @transform_8, window_bounds = array<i64: 128, 128>}, {pipeline_mode = #tpu.pipeline_mode<synchronous>, transform_indices = @transform_9, window_bounds = array<i64: 1, 128>}, {pipeline_mode = #tpu.pipeline_mode<synchronous>, transform_indices = @transform_10, window_bounds = array<i64: 1, 128>}, {pipeline_mode = #tpu.pipeline_mode<synchronous>, transform_indices = @transform_11, window_bounds = array<i64: 1, 128>}, {transform_indices = @transform_12, window_bounds = array<i64: 2000, 128>}]} {
    %get3A = arith.constant 0 : index
    %get3A_0 = arith.constant 0 : index
    %get3A_1 = arith.constant 0 : index
    %get3A_2 = vector.load %arg2[%get3A, %get3A_0, %get3A_1] : memref<1x2000x128xf32, #tpu.memory_space<vmem>>, vector<1x2000x128xf32>
    %get3A_3 = vector.shape_cast %get3A_2 : vector<1x2000x128xf32> to vector<2000x128xf32>
    %get3A_4 = arith.constant 0 : index
    %get3A_5 = arith.constant 0 : index
    %get3A_6 = arith.constant 0 : index
    %get3A_7 = vector.load %arg3[%get3A_4, %get3A_5, %get3A_6] : memref<1x2000x128xf32, #tpu.memory_space<vmem>>, vector<1x2000x128xf32>
    %get3A_8 = vector.shape_cast %get3A_7 : vector<1x2000x128xf32> to vector<2000x128xf32>
    %add3A = arith.addf %get3A_3, %get3A_8 : vector<2000x128xf32>
    %get3A_9 = arith.constant 0 : index
    %get3A_10 = arith.constant 0 : index
    %get3A_11 = vector.load %arg1[%get3A_9, %get3A_10] : memref<2000x128xf32, #tpu.memory_space<vmem>>, vector<2000x128xf32>
    %get3A_12 = arith.constant 0 : index
    %get3A_13 = arith.constant 0 : index
    %get3A_14 = vector.load %arg4[%get3A_12, %get3A_13] : memref<128x128xf32, #tpu.memory_space<vmem>>, vector<128x128xf32>
    %dot_general3A = arith.constant dense<0.000000e+00> : vector<2000x128xf32>
    %dot_general3A_15 = tpu.matmul %get3A_11, %get3A_14, %dot_general3A {dimension_numbers = #tpu.dot_dimension_numbers<[1], [0], [0], [1], [0, 0, 1, 1], [], []>, transpose_lhs_hint = false} : vector<2000x128xf32>, vector<128x128xf32>, vector<2000x128xf32> -> vector<2000x128xf32>
    %get3A_16 = arith.constant 0 : index
    %get3A_17 = arith.constant 0 : index
    %get3A_18 = vector.load %arg5[%get3A_16, %get3A_17] : memref<128x128xf32, #tpu.memory_space<vmem>>, vector<128x128xf32>
    %dot_general3A_19 = arith.constant dense<0.000000e+00> : vector<2000x128xf32>
    %dot_general3A_20 = tpu.matmul %add3A, %get3A_18, %dot_general3A_19 {dimension_numbers = #tpu.dot_dimension_numbers<[1], [0], [0], [1], [0, 0, 1, 1], [], []>, transpose_lhs_hint = false} : vector<2000x128xf32>, vector<128x128xf32>, vector<2000x128xf32> -> vector<2000x128xf32>
    %add3A_21 = arith.addf %dot_general3A_15, %dot_general3A_20 : vector<2000x128xf32>
    %get3A_22 = arith.constant 0 : index
    %get3A_23 = arith.constant 0 : index
    %get3A_24 = vector.load %arg6[%get3A_22, %get3A_23] : memref<1x128xf32, #tpu.memory_space<vmem>>, vector<1x128xf32>
    %add3A_25 = vector.broadcast %get3A_24 : vector<1x128xf32> to vector<2000x128xf32>
    %add3A_26 = arith.addf %add3A_21, %add3A_25 : vector<2000x128xf32>
    %max3A = arith.constant 0.000000e+00 : f32
    %max3A_27 = vector.broadcast %max3A : f32 to vector<2000x128xf32>
    %max3A_28 = arith.maximumf %add3A_26, %max3A_27 : vector<2000x128xf32>
    %get3A_29 = arith.constant 0 : index
    %get3A_30 = arith.constant 0 : index
    %get3A_31 = vector.load %arg7[%get3A_29, %get3A_30] : memref<128x128xf32, #tpu.memory_space<vmem>>, vector<128x128xf32>
    %dot_general3A_32 = arith.constant dense<0.000000e+00> : vector<2000x128xf32>
    %dot_general3A_33 = tpu.matmul %max3A_28, %get3A_31, %dot_general3A_32 {dimension_numbers = #tpu.dot_dimension_numbers<[1], [0], [0], [1], [0, 0, 1, 1], [], []>, transpose_lhs_hint = false} : vector<2000x128xf32>, vector<128x128xf32>, vector<2000x128xf32> -> vector<2000x128xf32>
    %get3A_34 = arith.constant 0 : index
    %get3A_35 = arith.constant 0 : index
    %get3A_36 = vector.load %arg8[%get3A_34, %get3A_35] : memref<1x128xf32, #tpu.memory_space<vmem>>, vector<1x128xf32>
    %add3A_37 = vector.broadcast %get3A_36 : vector<1x128xf32> to vector<2000x128xf32>
    %add3A_38 = arith.addf %dot_general3A_33, %add3A_37 : vector<2000x128xf32>
    %max3A_39 = arith.constant 0.000000e+00 : f32
    %max3A_40 = vector.broadcast %max3A_39 : f32 to vector<2000x128xf32>
    %max3A_41 = arith.maximumf %add3A_38, %max3A_40 : vector<2000x128xf32>
    %get3A_42 = arith.constant 0 : index
    %get3A_43 = arith.constant 0 : index
    %get3A_44 = vector.load %arg9[%get3A_42, %get3A_43] : memref<128x128xf32, #tpu.memory_space<vmem>>, vector<128x128xf32>
    %dot_general3A_45 = arith.constant dense<0.000000e+00> : vector<2000x128xf32>
    %dot_general3A_46 = tpu.matmul %max3A_41, %get3A_44, %dot_general3A_45 {dimension_numbers = #tpu.dot_dimension_numbers<[1], [0], [0], [1], [0, 0, 1, 1], [], []>, transpose_lhs_hint = false} : vector<2000x128xf32>, vector<128x128xf32>, vector<2000x128xf32> -> vector<2000x128xf32>
    %get3A_47 = arith.constant 0 : index
    %get3A_48 = arith.constant 0 : index
    %get3A_49 = vector.load %arg10[%get3A_47, %get3A_48] : memref<1x128xf32, #tpu.memory_space<vmem>>, vector<1x128xf32>
    %add3A_50 = vector.broadcast %get3A_49 : vector<1x128xf32> to vector<2000x128xf32>
    %add3A_51 = arith.addf %dot_general3A_46, %add3A_50 : vector<2000x128xf32>
    %reduce_sum3A = arith.constant dense<0.000000e+00> : vector<2000xf32>
    %reduce_sum3A_52 = vector.multi_reduction <add>, %add3A_51, %reduce_sum3A [1] : vector<2000x128xf32> to vector<2000xf32>
    %broadcast_in_dim3A = vector.shape_cast %reduce_sum3A_52 : vector<2000xf32> to vector<2000x1xf32>
    %div3A = arith.constant 1.280000e+02 : f32
    %div3A_53 = vector.broadcast %div3A : f32 to vector<2000x1xf32>
    %div3A_54 = arith.divf %broadcast_in_dim3A, %div3A_53 : vector<2000x1xf32>
    %sub3A = vector.broadcast %div3A_54 : vector<2000x1xf32> to vector<2000x128xf32>
    %sub3A_55 = arith.subf %add3A_51, %sub3A : vector<2000x128xf32>
    %mul3A = arith.mulf %sub3A_55, %sub3A_55 : vector<2000x128xf32>
    %reduce_sum3A_56 = arith.constant dense<0.000000e+00> : vector<2000xf32>
    %reduce_sum3A_57 = vector.multi_reduction <add>, %mul3A, %reduce_sum3A_56 [1] : vector<2000x128xf32> to vector<2000xf32>
    %broadcast_in_dim3A_58 = vector.shape_cast %reduce_sum3A_57 : vector<2000xf32> to vector<2000x1xf32>
    %div3A_59 = arith.constant 1.280000e+02 : f32
    %div3A_60 = vector.broadcast %div3A_59 : f32 to vector<2000x1xf32>
    %div3A_61 = arith.divf %broadcast_in_dim3A_58, %div3A_60 : vector<2000x1xf32>
    %add3A_62 = arith.constant 9.99999974E-6 : f32
    %add3A_63 = vector.broadcast %add3A_62 : f32 to vector<2000x1xf32>
    %add3A_64 = arith.addf %div3A_61, %add3A_63 : vector<2000x1xf32>
    %rsqrt3A = math.rsqrt %add3A_64 : vector<2000x1xf32>
    %mul3A_65 = vector.broadcast %rsqrt3A : vector<2000x1xf32> to vector<2000x128xf32>
    %mul3A_66 = arith.mulf %sub3A_55, %mul3A_65 : vector<2000x128xf32>
    %get3A_67 = arith.constant 0 : index
    %get3A_68 = arith.constant 0 : index
    %get3A_69 = vector.load %arg11[%get3A_67, %get3A_68] : memref<1x128xf32, #tpu.memory_space<vmem>>, vector<1x128xf32>
    %mul3A_70 = vector.broadcast %get3A_69 : vector<1x128xf32> to vector<2000x128xf32>
    %mul3A_71 = arith.mulf %mul3A_66, %mul3A_70 : vector<2000x128xf32>
    %get3A_72 = arith.constant 0 : index
    %get3A_73 = arith.constant 0 : index
    %get3A_74 = vector.load %arg12[%get3A_72, %get3A_73] : memref<1x128xf32, #tpu.memory_space<vmem>>, vector<1x128xf32>
    %add3A_75 = vector.broadcast %get3A_74 : vector<1x128xf32> to vector<2000x128xf32>
    %add3A_76 = arith.addf %mul3A_71, %add3A_75 : vector<2000x128xf32>
    %swap3A = arith.constant 0 : index
    %swap3A_77 = arith.constant 0 : index
    %swap3A_78 = vector.load %arg13[%swap3A, %swap3A_77] : memref<2000x128xf32, #tpu.memory_space<vmem>>, vector<2000x128xf32>
    tpu.vector_store %arg13[%swap3A, %swap3A_77], %add3A_76 {strides = array<i32>} : memref<2000x128xf32, #tpu.memory_space<vmem>>, vector<2000x128xf32>,
    return
  }
  func.func @transform_0(%arg0: i32) -> (i32, i32) {
    %c0_i32 = arith.constant 0 : i32
    %c0_i32_0 = arith.constant 0 : i32
    return %arg0, %c0_i32 : i32, i32
  }
  func.func @transform_1(%arg0: i32) -> (i32, i32, i32) {
    %c0_i32 = arith.constant 0 : i32
    %c0_i32_0 = arith.constant 0 : i32
    %c0_i32_1 = arith.constant 0 : i32
    return %c0_i32, %arg0, %c0_i32_0 : i32, i32, i32
  }
  func.func @transform_2(%arg0: i32) -> (i32, i32, i32) {
    %c1_i32 = arith.constant 1 : i32
    %c0_i32 = arith.constant 0 : i32
    %c0_i32_0 = arith.constant 0 : i32
    return %c1_i32, %arg0, %c0_i32 : i32, i32, i32
  }
  func.func @transform_3(%arg0: i32) -> (i32, i32) {
    %c0_i32 = arith.constant 0 : i32
    %c0_i32_0 = arith.constant 0 : i32
    %c0_i32_1 = arith.constant 0 : i32
    return %c0_i32, %c0_i32_0 : i32, i32
  }
  func.func @transform_4(%arg0: i32) -> (i32, i32) {
    %c0_i32 = arith.constant 0 : i32
    %c0_i32_0 = arith.constant 0 : i32
    %c0_i32_1 = arith.constant 0 : i32
    return %c0_i32, %c0_i32_0 : i32, i32
  }
  func.func @transform_5(%arg0: i32) -> (i32, i32) {
    %c0_i32 = arith.constant 0 : i32
    %c0_i32_0 = arith.constant 0 : i32
    %c0_i32_1 = arith.constant 0 : i32
    return %c0_i32, %c0_i32_0 : i32, i32
  }
  func.func @transform_6(%arg0: i32) -> (i32, i32) {
    %c0_i32 = arith.constant 0 : i32
    %c0_i32_0 = arith.constant 0 : i32
    %c0_i32_1 = arith.constant 0 : i32
    return %c0_i32, %c0_i32_0 : i32, i32
  }
  func.func @transform_7(%arg0: i32) -> (i32, i32) {
    %c0_i32 = arith.constant 0 : i32
    %c0_i32_0 = arith.constant 0 : i32
    %c0_i32_1 = arith.constant 0 : i32
    return %c0_i32, %c0_i32_0 : i32, i32
  }
  func.func @transform_8(%arg0: i32) -> (i32, i32) {
    %c0_i32 = arith.constant 0 : i32
    %c0_i32_0 = arith.constant 0 : i32
    %c0_i32_1 = arith.constant 0 : i32
    return %c0_i32, %c0_i32_0 : i32, i32
  }
  func.func @transform_9(%arg0: i32) -> (i32, i32) {
    %c0_i32 = arith.constant 0 : i32
    %c0_i32_0 = arith.constant 0 : i32
    %c0_i32_1 = arith.constant 0 : i32
    return %c0_i32, %c0_i32_0 : i32, i32
  }
  func.func @transform_10(%arg0: i32) -> (i32, i32) {
    %c0_i32 = arith.constant 0 : i32
    %c0_i32_0 = arith.constant 0 : i32
    %c0_i32_1 = arith.constant 0 : i32
    return %c0_i32, %c0_i32_0 : i32, i32
  }
  func.func @transform_11(%arg0: i32) -> (i32, i32) {
    %c0_i32 = arith.constant 0 : i32
    %c0_i32_0 = arith.constant 0 : i32
    %c0_i32_1 = arith.constant 0 : i32
    return %c0_i32, %c0_i32_0 : i32, i32
  }
  func.func @transform_12(%arg0: i32) -> (i32, i32) {
    %c0_i32 = arith.constant 0 : i32
    %c0_i32_0 = arith.constant 0 : i32
    return %arg0, %c0_i32 : i32, i32
  }
}

</mosaic_0001>

<sc_bundles>
// kernel: kernel.4.cloned.1.call-start
scs
__scs_entry_jumppad:
0x0: {  	(pc) =	sbr.rel $0x88, $3  }
0x1: {  	(tag) =	ssettag $0x0;
	lr =	simm.s32 $0x1  }
0x2: {  	[smem:$0x3F96] =	sst lr;
	_ =	strace $0xD0000000  }
0x3: {  	_ = 	snop  }
0x4: {  	_ = 	snop  }
0x5: {  	_ = 	snop  }
0x6: {  	_ = 	snop  }
0x7: {  	_ = 	snop  }
__scs_overlays_trampoline_lowered:
0x8: {  	[smem:$0x3FA5] =	sst s0  }
0x9: {  	[smem:$0x3FA6] =	sst s1  }
0xa: {  	[smem:$0x3FA7] =	sst s2  }
0xb: {  	[smem:$0x3FA8] =	sst s3  }
0xc: {  	[smem:$0x3FA9] =	sst s4  }
0xd: {  	[smem:$0x3FAA] =	sst s5  }
0xe: {  	[smem:$0x3FAB] =	sst s6  }
0xf: {  	[smem:$0x3FAC] =	sst s7  }
0x10: {  	[smem:$0x3FAD] =	sst s8  }
0x11: {  	[smem:$0x3FAE] =	sst s9;
	s0 =	simm.s32 @!p0 $0x0  }
0x12: {  	s1 =	sld [smem:$0x3F94];
	s0 =	simm.s32 @p0 $0x1  }
0x13: {  	[smem:$0x3FAF] =	sst s0;
	s0 =	simm.s32 @!p1 $0x0  }
0x14: {  	s2 =	sld [smem:$0x3F93];
	s0 =	simm.s32 @p1 $0x1  }
0x15: {  	[smem:$0x3FB0] =	sst s0;
	s0 =	simm.s32 @!p2 $0x0  }
0x16: {  	s3 =	sld [smem:$0x3FDB];
	s0 =	simm.s32 @p2 $0x1  }
0x17: {  	s4 =	simm.s32 $0x1BF5;
	[smem:$0x3FB2] =	sst s0  }
0x18: {  	s0 =	sld [smem:$0x3F95];
	_ =	swait.ge [sflag:s4], $0x0  }
0x19: {  	s7 =	sld [smem:$0x3F96]  }
0x1a: {  	s8 =	sadd.s32 $0xFFFFE003, lr  }
0x1b: {  	s9 =	sadd.s32 $0xFFFFFEF7, lr;
	s5 =	simm.s32 $0xFFFFFFFF;
	p2 =	slt.u32 s8, $0xFFFFF086  }
0x1c: {  	p1 =	slt.u32 s9, $0xF7A;
	s5 =	simm.s32 @!p2 $0x0  }
0x1d: {  	s5 =	simm.s32 @p1 $0x1;
	p0 =	seq.s32 s7, s2  }
0x1e: {  	s7 =	smul.u32 @!p0 $0xF7A, s2;
	p2 =	seq.s32 @!p0 s5, $0x0  }
0x1f: {  	s9 =	smul.u32 $0xF7A, s1;
	s8 =	simm.s32 @!p0 $0x1BF5;
	p2 =	por !p2, p0  }
0x20: {  	[sflag:s8] =	ssyncset.s32 @!p0 $0xFFFFF086;
	s6 =	sadd.s32 @!p0 s3, s7;
	s7 =	simm.s32 @!p0 $0x108  }
0x21: {  	s3 =	sadd.s32 s3, s9;
	s6 =	sadd.s32 @!p0 $0x88, s6;
	s7 =	simm.s32 @p2 $0x1082  }
0x22: {  	[simem:s7], [sflag:s8] =	dma.local @!p0 [hbm:s6], $0xF7A  }
0x23: {  	s9 =	sor.u32 $0xD0000000, s2;
	s6 =	simm.s32 $0x108;
	_ =	swait.ge @!p0 [sflag:s8], $0x0  }
0x24: {  	s3 =	sadd.s32 $0x88, s3;
	s6 =	simm.s32 @!p1 $0x1082;
	[sflag:s4] =	ssyncset.s32 $0xFFFFF086  }
0x25: {  	[simem:s6], [sflag:s4] =	dma.local [hbm:s3], $0xF7A  }
0x26: {  	[smem:$0x3F96] =	sst s1;
	(tag) =	ssettag s2;
	_ =	strace s9  }
0x27: {  	s1 =	sld [smem:$0x3FA6]  }
0x28: {  	s2 =	sld [smem:$0x3FA7]  }
0x29: {  	s4 =	sld [smem:$0x3FA9]  }
0x2a: {  	p0 =	seq.s32 s5, $0x0;
	s5 =	sld [smem:$0x3FAA]  }
0x2b: {  	s6 =	sld [smem:$0x3FAB]  }
0x2c: {  	s7 =	sld [smem:$0x3FAC]  }
0x2d: {  	s3 =	simm.s32 $0x108;
	s8 =	sld [smem:$0x3FAD]  }
0x2e: {  	s3 =	simm.s32 @!p0 $0x1082;
	s9 =	sld [smem:$0x3FAE]  }
0x2f: {  	lr =	sadd.s32 s0, s3;
	s0 =	sld [smem:$0x3FA5]  }
0x30: {  	s3 =	sld [smem:$0x3FA8]  }
0x31: {  	[smem:$0x3FB1] =	sst s10  }
0x32: {  	s10 =	sld [smem:$0x3FAF];
	_ =	sdelay $0x3  }
0x33: {  	p0 =	seq.s32 s10, $0x1;
	s10 =	sld [smem:$0x3FB1];
	_ =	sdelay $0x3  }
0x34: {  	[smem:$0x3FB1] =	sst s10  }
0x35: {  	s10 =	sld [smem:$0x3FB0];
	_ =	sdelay $0x3  }
0x36: {  	p1 =	seq.s32 s10, $0x1;
	s10 =	sld [smem:$0x3FB1];
	_ =	sdelay $0x3  }
0x37: {  	[smem:$0x3FB1] =	sst s10  }
0x38: {  	s10 =	sld [smem:$0x3FB2]  }
0x39: {  	_ = 	snop;
	(pc) =	sbr.ind lr, $3  }
0x3a: {  	_ = 	snop  }
0x3b: {  	_ = 	snop  }
0x3c: {  	p2 =	seq.s32 s10, $0x1;
	s10 =	sld [smem:$0x3FB1]  }
0x3d: {  	_ =	shalt  }
0x3e: {  	_ =	shalt  }
0x3f: {  	_ =	shalt  }
0x40: {  	_ =	shalt  }
0x41: {  	_ =	shalt  }
0x42: {  	_ =	shalt  }
0x43: {  	_ =	shalt  }
0x44: {  	_ =	shalt  }
0x45: {  	_ =	shalt  }
0x46: {  	_ =	shalt  }
0x47: {  	_ =	shalt  }
0x48: {  	_ =	shalt  }
0x49: {  	_ =	shalt  }
0x4a: {  	_ =	shalt  }
0x4b: {  	_ =	shalt  }
0x4c: {  	_ =	shalt  }
0x4d: {  	_ =	shalt  }
0x4e: {  	_ =	shalt  }
0x4f: {  	_ =	shalt  }
0x50: {  	_ =	shalt  }
0x51: {  	_ =	shalt  }
0x52: {  	_ =	shalt  }
0x53: {  	_ =	shalt  }
0x54: {  	_ =	shalt  }
0x55: {  	_ =	shalt  }
0x56: {  	_ =	shalt  }
0x57: {  	_ =	shalt  }
0x58: {  	_ =	shalt  }
0x59: {  	_ =	shalt  }
0x5a: {  	_ =	shalt  }
0x5b: {  	_ =	shalt  }
0x5c: {  	_ =	shalt  }
0x5d: {  	_ =	shalt  }
0x5e: {  	_ =	shalt  }
0x5f: {  	_ =	shalt  }
0x60: {  	_ =	shalt  }
0x61: {  	_ =	shalt  }
0x62: {  	_ =	shalt  }
0x63: {  	_ =	shalt  }
0x64: {  	_ =	shalt  }
0x65: {  	_ =	shalt  }
0x66: {  	_ =	shalt  }
0x67: {  	_ =	shalt  }
0x68: {  	_ =	shalt  }
0x69: {  	_ =	shalt  }
0x6a: {  	_ =	shalt  }
0x6b: {  	_ =	shalt  }
0x6c: {  	_ =	shalt  }
0x6d: {  	_ =	shalt  }
0x6e: {  	_ =	shalt  }
0x6f: {  	_ =	shalt  }
0x70: {  	_ =	shalt  }
0x71: {  	_ =	shalt  }
0x72: {  	_ =	shalt  }
0x73: {  	_ =	shalt  }
0x74: {  	_ =	shalt  }
0x75: {  	_ =	shalt  }
0x76: {  	_ =	shalt  }
0x77: {  	_ =	shalt  }
0x78: {  	_ =	shalt  }
0x79: {  	_ =	shalt  }
0x7a: {  	_ =	shalt  }
0x7b: {  	_ =	shalt  }
0x7c: {  	_ =	shalt  }
0x7d: {  	_ =	shalt  }
0x7e: {  	_ =	shalt  }
0x7f: {  	_ =	shalt  }
0x80: {  	_ =	shalt  }
0x81: {  	_ =	shalt  }
0x82: {  	_ =	shalt  }
0x83: {  	_ =	shalt  }
0x84: {  	_ =	shalt  }
0x85: {  	_ =	shalt  }
0x86: {  	_ =	shalt  }
0x87: {  	_ =	shalt  }
.Lfunc_end0:
.L_simem_size_0:
called_computation_lowered:
.L_overlay_start_0:
0x88: {  	s2 =	sld [smem:$0x3FD9]  }
0x89: {  	s3 =	sld [smem:$0x3FFE];
	_ =	sdelay $0x1  }
0x8a: {  	s1 =	srdreg.scid  }
0x8b: {  	s0 =	sand.u32 $0x1, s1  }
0x8c: {  	s17 =	sshll.u32 s0, $0xA;
	s2 =	sadd.s32 s3, s2  }
0x8d: {  	s2 =	sadd.s32 s2, s17  }
0x8e: {  	[smem:$0x3FBD] =	sst s2  }
0x8f: {  	_ = 	snop  }
0x90: {  	s2 =	sld [smem:$0x3FC7]  }
0x91: {  	s18 =	sld [smem:$0x3FD0];
	(tm) =	ssettm $0x1  }
0x92: {  	s4 =	sld [smem:$0x3FFB];
	_ =	sdelay $0x3  }
0x93: {  	_ =	strace s4  }
0x94: {  	s4 =	sld [smem:$0x3FFC];
	_ =	sdelay $0x3  }
0x95: {  	_ =	strace s4  }
0x96: {  	s4 =	sld [smem:$0x3FFD];
	_ =	sdelay $0x3  }
0x97: {  	_ =	strace s4  }
0x98: {  	_ =	strace $0x8FFFFFFF  }
0x99: {  	s19 =	sld [smem:$0x3FDB];
	_ =	sdelay $0x1  }
0x9a: {  	s5 =	simm.s32 $_scs_section_size  }
0x9b: {  	s6 =	simm.s32 $_size__tile_overlayer_lowered;
	s7 =	simm.s32 $_tile_overlayer_lowered  }
0x9c: {  	s22 =	simm.s32 $0x1BFF;
	s21 =	sshll.u32 s7, $0x1;
	s4 =	sadd.s32 s5, s19  }
0x9d: {  	s8 =	simm.s32 $0x0;
	s20 =	sshll.u32 s6, $0x1;
	s6 =	sadd.s32 s21, s4  }
0x9e: {  	[timem:s8], [sflag:s22] =	dma.local [hbm:s6], s20  }
0x9f: {  	_ =	swait.ge [sflag:s22], s20  }
0xa0: {  	s5 =	ssub.s32 $0x0, s20;
	[sflag:s22] =	ssyncset.done $0x0  }
0xa1: {  	[sflag:s22] =	ssyncadd.s32 s5;
	_ =	sdelay $0x1  }
0xa2: {  	s23 =	simm.s32 $0x1B8B  }
0xa3: {  	_ =	swait.ge [sflag:s23], $0x1  }
0xa4: {  	[sflag:s23] =	ssyncset.done $0x0  }
0xa5: {  	s25 =	simm.s32 $0x1B8E;
	s24 =	sld [smem:$0x3FFE];
	[sflag:s23] =	ssyncadd.s32 $0xFFFFFFFF  }
0xa6: {  	s26 =	simm.s32 $execute0_lowered;
	[smem:$0x3FD2] =	sst s25  }
0xa7: {  	s6 =	sshll.u32 s26, $0x1;
	_ =	strace $0x80000046;
	[dreg:$0x1] =	wrdreg $0xFFFFFFFF  }
0xa8: {  	s28 =	simm.s32 $_size_execute0_lowered;
	s4 =	sadd.s32 s4, s6;
	[dreg:$0x0] =	wrdreg $0x0  }
0xa9: {  	s6 =	sshll.u32 s28, $0x1;
	[dreg:$0x2] =	wrdreg s4  }
0xaa: {  	[dreg:$0x3] =	wrdreg s6  }
0xab: {  	[dreg:$0x4] =	wrdreg $0xC0  }
0xac: {  	_ =	task [dreg:s8], $0x5FFFF  }
0xad: {  	[dreg:$0x1] =	wrdreg $0xFFFFFFFF  }
0xae: {  	[dreg:$0x0] =	wrdreg $0x60  }
0xaf: {  	[dreg:$0x2] =	wrdreg s24  }
0xb0: {  	[dreg:$0x3] =	wrdreg s2  }
0xb1: {  	[dreg:$0x4] =	wrdreg s18  }
0xb2: {  	[dreg:$0x5] =	wrdreg $0xC2800  }
0xb3: {  	[dreg:$0x6] =	wrdreg $0x9  }
0xb4: {  	_ =	task.clear_ibuf [dreg:s8], $0x7FFFF;
	_ =	strace $0x90000046  }
0xb5: {  	s29 =	simm.s32 $0x9;
	_ =	strace $0x80000048  }
0xb6: {  	_ =	swait.ge [sflag:s29], $0x1  }
0xb7: {  	[sflag:s29] =	ssyncadd.s32 $0xFFFFFFFF  }
0xb8: {  	_ =	strace $0x90000048  }
0xb9: {  	_ =	sfence  }
0xba: {  	s30 =	sld [smem:$0x0];
	_ =	sdelay $0x2  }
0xbb: {  	s31 =	sshll.u32 s1, $0xD;
	s1 =	sshrl.u32 s1, $0x2  }
0xbc: {  	s3 =	sand.u32 $0x4000, s31;
	s1 =	sadd.s32 s1, s30  }
0xbd: {  	s0 =	sor.u32 s3, s0;
	s1 =	sshll.u32 s1, $0x11  }
0xbe: {  	s0 =	sor.u32 s1, s0  }
0xbf: {  	s0 =	sadd.s32 $0x8F2B, s0  }
0xc0: {  	[sflag:s0] =	ssyncadd.remote.s32 $0x1  }
0xc1: {  	_ =	sfence.sel $0xFFFF  }
0xc2: {  	[dreg:$0x0] =	wrdreg $0xFFFFFFFF;
	(pc) =	sbr.abs _section_cstart, $3  }
0xc3: {  	[dreg:$0x1] =	wrdreg $0xFFFFFFFF  }
0xc4: {  	_ =	task.clear_ibuf [dreg:s8], $0x2FFFF;
	_ =	strace $0x9FFFFFFF  }
0xc5: {  	(tm) =	ssettm $0x7FFFFFFF  }
tec
execute0_lowered:
.L_overlay_start_1:
0x0: {  	(tag) =	ssettag $0x1  }
0x1: {  	s0 =	rddreg [dreg:$0x0]  }
0x2: {  	s2 =	rddreg [dreg:$0x1]  }
0x3: {  	s4 =	rddreg [dreg:$0x2]  }
0x4: {  	s1 =	rddreg [dreg:$0x3]  }
0x5: {  	s3 =	simm.s32 $0x0;
	s5 =	srdreg.scid;
	s13 =	stileid.u32  }
0x6: {  	s29 =	simm.s32 $0x100;
	s30 =	simm.s32 $0x8280;
	s31 =	simm.s32 $0x4  }
0x7: {  	s28 =	simm.s32 $0x3;
	[smem:$0x7FF] =	sst s3;
	s8 =	smul.u32 $0x4E000, s13  }
0x8: {  	s5 =	sand.u32 $0x1, s5;
	s6 =	sadd.s32 $0x1A00, s0;
	s11 =	smul.u32 $0x13800, s13  }
0x9: {  	s0 =	sadd.s32 $0x15400, s0;
	s19 =	sadd.s32 $0x138000, s1;
	p0 =	sne.s32 s13, $0xF  }
0xa: {  	s25 =	sshll.u32 s13, $0x6;
	_ =	strace $0x80000047;
	s16 =	smul.u32 $0x138800, s5  }
0xb: {  	s7 =	ssub.s32 $0x2, s5;
	[dreg:$0x7] =	wrdreg s25;
	s21 =	smul.u32 $0x271000, s5  }
0xc: {  	s10 =	sshll.u32 s5, $0x4;
	[dreg:$0xf] =	wrdreg s19;
	s5 =	smul.u32 $0x27100, s5  }
0xd: {  	s9 =	sshrl.u32 s7, $0x1;
	s22 =	sor.u32 s13, s10;
	s8 =	sshrl.u32 s8, $0x2  }
0xe: {  	s12 =	sshrl.u32 s11, $0x3;
	s7 =	ssub.s32 s7, s9;
	s8 =	sadd.s32 s8, s1  }
0xf: {  	s10 =	smul.u32 $0x2710, s22;
	s23 =	sadd.s32 s4, s12;
	[dreg:$0x5] =	wrdreg s8  }
0x10: {  	s24 =	smul.u32 $0x138800, s22;
	s12 =	sor.u32 $0x1C04, s25;
	[dreg:$0x6] =	wrdreg s23  }
0x11: {  	s9 =	smul.u32 $0x27100, s22;
	s4 =	sadd.s32 $0x27000, s4;
	[dreg:$0x8] =	wrdreg s12  }
0x12: {  	s20 =	sadd.s32 s11, s16;
	s22 =	smul.u32 $0x2710, s13;
	[dreg:$0x10] =	wrdreg s4  }
0x13: {  	s4 =	sshrl.u32 s20, $0x3;
	s23 =	smul.u32 $0x27100, s13;
	s20 =	smax.u32 s7, $0x1  }
0x14: {  	s10 =	sshrl.u32 s10, $0x3;
	s8 =	sshrl.u32 s24, $0x3;
	s9 =	sadd.s32 s2, s9  }
0x15: {  	s4 =	sadd.s32 s0, s4;
	s24 =	sadd.s32 s22, s5;
	s5 =	simm.s32 $0x0  }
0x16: {  	s10 =	sadd.s32 s6, s10;
	[dreg:$0xa] =	wrdreg s9;
	s8 =	sadd.s32 s2, s8  }
0x17: {  	s9 =	sshrl.u32 s16, $0x3;
	[dreg:$0x11] =	wrdreg s4;
	s2 =	sadd.s32 s21, s2  }
0x18: {  	s25 =	sadd.s32 $0x4E480, s24;
	s4 =	sadd.s32 $0x4E400, s24;
	s26 =	sadd.s32 $0x9C40, s10  }
0x19: {  	s14 =	sadd.s32 $0x9C50, s10;
	s15 =	sadd.s32 $0x800, s8;
	[dreg:$0x9] =	wrdreg s26  }
0x1a: {  	s17 =	sadd.s32 $0x9C60, s10;
	s18 =	sadd.s32 $0x1000, s8;
	[dreg:$0xb] =	wrdreg s14  }
0x1b: {  	s0 =	sadd.s32 s0, s9;
	s21 =	sadd.s32 s23, s2;
	[dreg:$0xc] =	wrdreg s15  }
0x1c: {  	s2 =	sshrl.u32 s25, $0x3;
	s25 =	simm.s32 $0x280;
	[dreg:$0xd] =	wrdreg s17  }
.Ltmp0:
0x1d: {  	[dreg:$0xe] =	wrdreg s18;
	s17 =	sadd.s32 $0xA120, s10;
	(pc) =	sbr.rel .LBB2_1-.Ltmp0, $4  }
0x1e: {  	s18 =	sadd.s32 $0x27000, s8;
	s19 =	sadd.s32 $0x27000, s0;
	s0 =	sadd.s32 $0x4E380, s24  }
0x1f: {  	s10 =	sadd.s32 s2, s6;
	s26 =	sshrl.u32 s4, $0x3;
	s2 =	simm.s32 $0x5  }
0x20: {  	s4 =	simm.s32 $0x200;
	s0 =	sshrl.u32 s0, $0x3;
	s9 =	sadd.s32 s26, s6  }
0x21: {  	s26 =	simm.s32 $0x80;
	s8 =	sadd.s32 s0, s6;
	s0 =	simm.s32 $0x1  }
.LBB2_4:
0x22: {  	[tilespmem:s4], [sflag:$0x5] =	stream.linear.gather [hbm4b:s17+s3], $0x10, $0x38;
	[tilespmem:$0x1FB00] =	vst v63  }
0x23: {  	_ =	swait.ge [sflag:s2], $0x10  }
0x24: {  	[sflag:s2] =	ssyncset.done $0x0  }
0x25: {  	[sflag:s2] =	ssyncadd.s32 $0xFFFFFFF0  }
0x26: {  	[tilespmem:s25], [sflag:$0x5] =	stream.linear.gather [hbm4b:s18+s3], $0x800, $0x38;
	[tilespmem:$0x1FB00] =	vst v63  }
0x27: {  	_ =	swait.ge [sflag:s2], $0x800  }
0x28: {  	[sflag:s2] =	ssyncset.done $0x0  }
0x29: {  	s11 =	simm.s32 $0x10;
	[sflag:s2] =	ssyncadd.s32 $0xFFFFF800  }
0x2a: {  	[spmem:s1] =	stream.indirect.scatter.add.f32 [tilespmem:s25], [sflag:$0x5], $0x80, s4, s11, $0xb8;
	[tilespmem:$0x1FB00] =	vst v63  }
0x2b: {  	_ =	swait.ge [sflag:s2], $0x800  }
0x2c: {  	[sflag:s2] =	ssyncset.done $0x0  }
0x2d: {  	[sflag:s2] =	ssyncadd.s32 $0xFFFFF800  }
0x2e: {  	[bflag:$0x0] =	sbarrier.arrive $0xFFFF  }
0x2f: {  	s24 =	rddreg [dreg:$0x7]  }
0x30: {  	s12 =	rddreg [dreg:$0x11];
	s11 =	sor.u32 $0x1C05, s24  }
0x31: {  	[hbm:s12], [sflag:s11] =	dma.local [spmem:s7], $0x2700  }
0x32: {  	_ =	swait.ge [sflag:s2], $0x2700  }
0x33: {  	s5 =	sadd.s32 $0x1, s5;
	[sflag:s2] =	ssyncset.done $0x0  }
0x34: {  	p1 =	sne.s32 s5, s20;
	[sflag:s2] =	ssyncadd.s32 $0xFFFFD900  }
0x35: {  	[hbm:s19], [sflag:s11] =	dma.local @!p0 [spmem:s6], $0x100  }
.Ltmp1:
0x36: {  	_ = 	snop;
	(pc) =	sbr.rel @!p1 .LBB2_5-.Ltmp1, $4  }
0x37: {  	s6 =	simm.s32 @!p0 $0x5  }
0x38: {  	_ =	swait.ge @!p0 [sflag:s6], $0x100  }
0x39: {  	[sflag:s6] =	ssyncset.done @!p0 $0x0  }
0x3a: {  	[sflag:s6] =	ssyncadd.s32 @!p0 $0xFFFFFF00  }
.LBB2_1:
0x3b: {  	s6 =	rddreg [dreg:$0x5]  }
0x3c: {  	s13 =	rddreg [dreg:$0x6]  }
0x3d: {  	s11 =	rddreg [dreg:$0x8];
	s7 =	sshrl.u32 s6, $0x3  }
0x3e: {  	[spmem:s7], [sflag:s11] =	dma.local [hbm:s13], $0x2700  }
0x3f: {  	s6 =	rddreg [dreg:$0x9]  }
0x40: {  	[tilespmem:s3], [sflag:$0x1] =	stream.linear.gather [hbm4b:s6+s3], $0x80, $0x38;
	[tilespmem:$0x1FB00] =	vst v63  }
0x41: {  	s14 =	rddreg [dreg:$0xa]  }
0x42: {  	[tilespmem:s25], [sflag:$0x1] =	stream.linear.gather [hbm4b:s14+s3], $0x4000, $0x38;
	[tilespmem:$0x1FB00] =	vst v63  }
0x43: {  	s15 =	rddreg [dreg:$0xb]  }
0x44: {  	[tilespmem:s26], [sflag:$0x2] =	stream.linear.gather [hbm4b:s15+s3], $0x80, $0x38;
	[tilespmem:$0x1FB00] =	vst v63  }
0x45: {  	s22 =	simm.s32 $0x4280;
	s16 =	rddreg [dreg:$0xc]  }
0x46: {  	[tilespmem:s22], [sflag:$0x2] =	stream.linear.gather [hbm4b:s16+s3], $0x4000, $0x38;
	[tilespmem:$0x1FB00] =	vst v63  }
0x47: {  	s23 =	rddreg [dreg:$0xd]  }
0x48: {  	[tilespmem:s29], [sflag:$0x3] =	stream.linear.gather [hbm4b:s23+s3], $0x80, $0x38;
	[tilespmem:$0x1FB00] =	vst v63  }
0x49: {  	s24 =	rddreg [dreg:$0xe]  }
0x4a: {  	[tilespmem:s30], [sflag:$0x3] =	stream.linear.gather [hbm4b:s24+s3], $0x4000, $0x38;
	[tilespmem:$0x1FB00] =	vst v63  }
0x4b: {  	_ =	swait.ge [sflag:s31], $0x2700  }
0x4c: {  	s11 =	simm.s32 @!p0 $0x1FC5;
	[sflag:s31] =	ssyncset.done $0x0;
	s6 =	rddreg [dreg:$0xf]  }
0x4d: {  	s12 =	rddreg [dreg:$0x10];
	[sflag:s31] =	ssyncadd.s32 $0xFFFFD900;
	s6 =	sshrl.u32 @!p0 s6, $0x3  }
0x4e: {  	[spmem:s6], [sflag:s11] =	dma.local @!p0 [hbm:s12], $0x100  }
0x4f: {  	s11 =	simm.s32 @!p0 $0x5  }
0x50: {  	_ =	swait.ge @!p0 [sflag:s11], $0x100  }
0x51: {  	[sflag:s11] =	ssyncset.done @!p0 $0x0  }
0x52: {  	s22 =	smov.u32 s10;
	s23 =	smov.u32 s9;
	[sflag:s11] =	ssyncadd.s32 @!p0 $0xFFFFFF00  }
0x53: {  	s24 =	smov.u32 s8;
	s11 =	simm.s32 $0x0;
	[bflag:$0x0] =	sbarrier.arrive $0xFFFF  }
.LBB2_2:
0x54: {  	_ =	swait.ge [sflag:s0], $0x80  }
0x55: {  	[sflag:s0] =	ssyncset.done $0x0  }
0x56: {  	[sflag:s0] =	ssyncadd.s32 $0xFFFFFF80  }
0x57: {  	_ =	swait.ge [sflag:s0], $0x4000  }
0x58: {  	[sflag:s0] =	ssyncset.done $0x0  }
0x59: {  	[sflag:s0] =	ssyncadd.s32 $0xFFFFC000  }
0x5a: {  	[spmem:s1] =	stream.indirect.scatter.add.f32 [tilespmem:s25], [sflag:$0x5], $0x80, s3, s26, $0xb8;
	[tilespmem:$0x1FB00] =	vst v63  }
0x5b: {  	_ =	swait.ge [sflag:s2], $0x4000  }
0x5c: {  	p1 =	seq.s32 s11, $0x25800;
	[sflag:s2] =	ssyncset.done $0x0  }
0x5d: {  	s12 =	simm.s32 @p1 $0x2;
	[sflag:s2] =	ssyncadd.s32 $0xFFFFC000  }
0x5e: {  	_ =	swait.ge @p1 [sflag:s12], $0x80  }
0x5f: {  	[sflag:s12] =	ssyncset.done @p1 $0x0  }
0x60: {  	[sflag:s12] =	ssyncadd.s32 @p1 $0xFFFFFF80  }
0x61: {  	_ =	swait.ge @p1 [sflag:s12], $0x4000  }
0x62: {  	[sflag:s12] =	ssyncset.done @p1 $0x0  }
0x63: {  	s13 =	simm.s32 @p1 $0x4280;
	[sflag:s12] =	ssyncadd.s32 @p1 $0xFFFFC000;
	s12 =	simm.s32 @p1 $0x80  }
0x64: {  	[spmem:s1] =	stream.indirect.scatter.add.f32 @p1 [tilespmem:s13], [sflag:$0x5], $0x80, s12, s12, $0xb8;
	[tilespmem:$0x1FB00] =	vst v63  }
0x65: {  	s12 =	simm.s32 @p1 $0x5  }
0x66: {  	_ =	swait.ge @p1 [sflag:s12], $0x4000  }
0x67: {  	[sflag:s12] =	ssyncset.done @p1 $0x0  }
0x68: {  	s13 =	sadd.s32 @!p1 s11, s21;
	[sflag:s12] =	ssyncadd.s32 @p1 $0xFFFFC000;
	s12 =	simm.s32 @!p1 $0x0  }
0x69: {  	[tilespmem:s12], [sflag:$0x1] =	stream.linear.gather @!p1 [hbm4b:s24+s12], $0x80, $0x38;
	[tilespmem:$0x1FB00] =	vst v63  }
0x6a: {  	s15 =	simm.s32 @!p1 $0x280;
	s14 =	sadd.s32 @!p1 $0x1800, s13  }
0x6b: {  	[tilespmem:s15], [sflag:$0x1] =	stream.linear.gather @!p1 [hbm4b:s14+s12], $0x4000, $0x38;
	[tilespmem:$0x1FB00] =	vst v63  }
0x6c: {  	s14 =	simm.s32 @!p1 $0x2  }
0x6d: {  	_ =	swait.ge @!p1 [sflag:s14], $0x80  }
0x6e: {  	[sflag:s14] =	ssyncset.done @!p1 $0x0  }
0x6f: {  	[sflag:s14] =	ssyncadd.s32 @!p1 $0xFFFFFF80  }
0x70: {  	_ =	swait.ge @!p1 [sflag:s14], $0x4000  }
0x71: {  	s16 =	simm.s32 @!p1 $0x5;
	[sflag:s14] =	ssyncset.done @!p1 $0x0  }
0x72: {  	s15 =	simm.s32 @!p1 $0x4280;
	[sflag:s14] =	ssyncadd.s32 @!p1 $0xFFFFC000;
	s14 =	simm.s32 @!p1 $0x80  }
0x73: {  	[spmem:s1] =	stream.indirect.scatter.add.f32 @!p1 [tilespmem:s15], [sflag:$0x5], $0x80, s14, s14, $0xb8;
	[tilespmem:$0x1FB00] =	vst v63  }
0x74: {  	_ =	swait.ge @!p1 [sflag:s16], $0x4000  }
0x75: {  	[sflag:s16] =	ssyncset.done @!p1 $0x0  }
0x76: {  	[sflag:s16] =	ssyncadd.s32 @!p1 $0xFFFFC000  }
0x77: {  	[tilespmem:s14], [sflag:$0x2] =	stream.linear.gather @!p1 [hbm4b:s23+s12], $0x80, $0x38;
	[tilespmem:$0x1FB00] =	vst v63  }
0x78: {  	s13 =	sadd.s32 @!p1 $0x2000, s13  }
0x79: {  	[tilespmem:s15], [sflag:$0x2] =	stream.linear.gather @!p1 [hbm4b:s13+s12], $0x4000, $0x38;
	[tilespmem:$0x1FB00] =	vst v63  }
0x7a: {  	_ =	swait.ge [sflag:s28], $0x80  }
0x7b: {  	[sflag:s28] =	ssyncset.done $0x0  }
0x7c: {  	[sflag:s28] =	ssyncadd.s32 $0xFFFFFF80  }
0x7d: {  	_ =	swait.ge [sflag:s28], $0x4000  }
0x7e: {  	[sflag:s28] =	ssyncset.done $0x0  }
.Ltmp2:
0x7f: {  	[sflag:s28] =	ssyncadd.s32 $0xFFFFC000;
	(pc) =	sbr.rel @p1 .LBB2_4-.Ltmp2, $4  }
0x80: {  	[spmem:s1] =	stream.indirect.scatter.add.f32 [tilespmem:s30], [sflag:$0x5], $0x80, s29, s26, $0xb8;
	[tilespmem:$0x1FB00] =	vst v63  }
0x81: {  	_ =	swait.ge [sflag:s2], $0x4000  }
0x82: {  	[sflag:s2] =	ssyncset.done $0x0  }
0x83: {  	[sflag:s2] =	ssyncadd.s32 $0xFFFFC000  }
.Ltmp3:
0x84: {  	(pc) =	sbr.rel .LBB2_2-.Ltmp3, $4  }
0x85: {  	[tilespmem:s29], [sflag:$0x3] =	stream.linear.gather [hbm4b:s22+s3], $0x80, $0x38;
	[tilespmem:$0x1FB00] =	vst v63  }
0x86: {  	s12 =	sadd.s32 s11, s21;
	s11 =	sadd.s32 $0x1800, s11;
	s22 =	sadd.s32 $0x30, s22  }
0x87: {  	s23 =	sadd.s32 $0x30, s23;
	s24 =	sadd.s32 $0x30, s24;
	s12 =	sadd.s32 $0x2800, s12  }
0x88: {  	[tilespmem:s30], [sflag:$0x3] =	stream.linear.gather [hbm4b:s12+s3], $0x4000, $0x38;
	[tilespmem:$0x1FB00] =	vst v63  }
.LBB2_5:
0x89: {  	_ =	sfence.sel $0x180000  }
0x8a: {  	[bflag:$0x0] =	sbarrier.arrive $0xFFFF  }
0x8b: {  	_ =	strace $0x90000047  }
0x8c: {  	s0 =	stileid.u32;
	[bflag:$0x2] =	sbarrier.arrive $0xFFFF  }
0x8d: {  	p0 =	sne.s32 s0, $0x0;
	s0 =	rddreg [dreg:$0x4]  }
0x8e: {  	s0 =	sadd.s32 @!p0 $0x100000, s0  }
0x8f: {  	[sflag:s0] =	ssyncadd.tile.s32 @!p0 $0x1;
	_ =	shalt  }
.Lfunc_end2:
_tile_overlayer_lowered:
.L_overlay_start_2:
0x90: {  	(tag) =	ssettag $0x2  }
0x91: {  	s0 =	rddreg [dreg:$0x0];
	s2 =	stileid.u32  }
0x92: {  	s1 =	rddreg [dreg:$0x1];
	p0 =	sne.s32 s2, $0x0  }
0x93: {  	s3 =	rddreg [dreg:$0x2];
	[bflag:$0x3] =	sbarrier.arrive $0xFFFF;
	s2 =	simm.s32 @!p0 $0x1C05  }
0x94: {  	[timem:s3], [sflag:s2] =	dma.local @!p0 [hbm:s0], s1  }
0x95: {  	s0 =	simm.s32 @!p0 $0x5  }
0x96: {  	_ =	swait.ge @!p0 [sflag:s0], s1  }
0x97: {  	s1 =	ssub.s32 @!p0 $0x0, s1;
	[sflag:s0] =	ssyncset.done @!p0 $0x0  }
0x98: {  	[sflag:s0] =	ssyncadd.s32 @!p0 s1  }
0x99: {  	[bflag:$0x3] =	sbarrier.arrive $0xFFFF  }
0x9a: {  	_ =	shalt  }

</sc_bundles>
